<compile_context>
chip_gen: v7x
topology: tpu7x:2x2x1
jax: 0.10.2.dev20260603
libtpu: 0.0.44.dev20260713+nightly
codegen_flags: <defaults>
</compile_context>

<pallas_src>
import functools

import jax
import jax.numpy as jnp
from jax import lax
from jax.experimental import pallas as pl
from jax.experimental.pallas import tpu as pltpu
from jax.experimental.pallas import tpu_sc as plsc

EMBED_DIM = 64
NUM_WORKERS = 32
NBUF = 2
ROWS_PER_CHUNK = 16


def _sc_gather(indices, table):
    batch, hist = indices.shape
    rows_pw = batch // NUM_WORKERS
    n_chunks = rows_pw // ROWS_PER_CHUNK
    assert n_chunks % NBUF == 0 and n_chunks // NBUF >= 2
    mesh = plsc.VectorSubcoreMesh(core_axis_name="c", subcore_axis_name="s")

    @functools.partial(
        pl.kernel,
        mesh=mesh,
        out_type=jax.ShapeDtypeStruct((batch, 56, 128), jnp.float32),
        scratch_types=[
            pltpu.VMEM((rows_pw, hist), jnp.int32),
            *[pltpu.VMEM((ROWS_PER_CHUNK, hist, EMBED_DIM), jnp.float32)
              for _ in range(NBUF)],
            *[pltpu.SemaphoreType.DMA for _ in range(2 * NBUF)],
        ],
        compiler_params=pltpu.CompilerParams(use_tc_tiling_on_sc=False),
    )
    def grab(idx_hbm, table_hbm, out_hbm, idx_v, *bufs_and_sems):
        rows = bufs_and_sems[:NBUF]
        gsem = bufs_and_sems[NBUF:2 * NBUF]
        osem = bufs_and_sems[2 * NBUF:]
        wid = lax.axis_index("s") * 2 + lax.axis_index("c")
        base = wid * rows_pw
        pltpu.sync_copy(idx_hbm.at[pl.ds(base, rows_pw), :], idx_v)

        def gather(j, b):
            for r in range(ROWS_PER_CHUNK):
                pltpu.async_copy(
                    table_hbm.at[idx_v.at[j * ROWS_PER_CHUNK + r]],
                    rows[b].at[r], gsem[b])

        def put(j, b):
            pltpu.async_copy(
                rows[b],
                out_hbm.at[pl.ds(base + j * ROWS_PER_CHUNK, ROWS_PER_CHUNK),
                           pl.ds(0, hist), pl.ds(0, EMBED_DIM)],
                osem[b])

        def wait_gather(b):
            pltpu.make_async_copy(
                out_hbm.at[pl.ds(0, ROWS_PER_CHUNK), pl.ds(0, hist),
                           pl.ds(0, EMBED_DIM)],
                rows[b], gsem[b]).wait()

        def wait_put(b):
            pltpu.make_async_copy(
                rows[b],
                out_hbm.at[pl.ds(base, ROWS_PER_CHUNK), pl.ds(0, hist),
                           pl.ds(0, EMBED_DIM)],
                osem[b]).wait()

        for b in range(NBUF):
            gather(b, b)

        def body(i, carry):
            j0 = NBUF * i
            for b in range(NBUF):
                wait_gather(b)
                put(j0 + b, b)

                @pl.when(i + 1 < n_chunks // NBUF)
                def _():
                    wait_put(b)
                    gather(j0 + b + NBUF, b)

            return carry

        lax.fori_loop(0, n_chunks // NBUF, body, 0)
        for b in range(NBUF):
            wait_put(b)

    return grab(indices, table)


def kernel(indices, table):
    hist = indices.shape[1]
    return _sc_gather(indices.astype(jnp.int32), table)[:, :hist, :EMBED_DIM]

# --- scband reference (transcript-rebuilt; emitter-appended) ---
"""Pipeline reference for scband-generic-embedding-61701500174449 (READ-ONLY COPY).

The authoritative reference and input builder live on the scoring server;
editing this copy changes nothing except your own understanding.
"""

import jax, jax.numpy as jnp
import numpy as np

VOCAB = 1000000
EMBED_DIM = 64
BATCH = 16384
HIST_LEN = 50


def setup_inputs(seed: int = 0) -> dict:
    key = jax.random.key(seed)
    k_idx, k_tab = jax.random.split(key)
    indices = jax.random.randint(k_idx, (BATCH, HIST_LEN), 0, VOCAB, dtype=jnp.int64 if jax.config.jax_enable_x64 else jnp.int32)
    # Learned parameter: the embedding table (nn.Embedding(len(lut), embedding_size)).
    table = jax.random.normal(k_tab, (VOCAB, EMBED_DIM), dtype=jnp.float32)
    return {"indices": indices, "table": table}


def reference(indices, table):
    # Faithful translation: the torch module maps tokens -> integer ids via the LUT
    # (a pure host-side dict lookup) and then performs nn.Embedding, i.e. a row gather
    # from the embedding table. We model the post-LUT integer ids directly.
    return jnp.take(table, indices, axis=0)

if __name__ == "__main__":
    import jax
    _d = setup_inputs()
    print(jax.jit(kernel)(*tuple(_d.values())))

</pallas_src>

<mosaic_0001>
#map = affine_map<(d0, d1) -> (0, 0)>
#map1 = affine_map<(d0, d1) -> (0, 0, 0)>
module attributes {stable_mosaic.version = 14 : i64} {
  func.func @grab(%arg0: i32, %arg1: i32, %arg2: memref<16384x50xi32, #tpu.memory_space<hbm>>, %arg3: memref<1000000x64xf32, #tpu.memory_space<hbm>>, %arg4: memref<16384x56x128xf32, #tpu.memory_space<hbm>>, %arg5: memref<512x50xi32, #tpu.memory_space<vmem>>, %arg6: memref<16x50x64xf32, #tpu.memory_space<vmem>>, %arg7: memref<16x50x64xf32, #tpu.memory_space<vmem>>, %arg8: memref<!tpu.dma_semaphore, #tpu.memory_space<semaphore_mem>>, %arg9: memref<!tpu.dma_semaphore, #tpu.memory_space<semaphore_mem>>, %arg10: memref<!tpu.dma_semaphore, #tpu.memory_space<semaphore_mem>>, %arg11: memref<!tpu.dma_semaphore, #tpu.memory_space<semaphore_mem>>) attributes {dimension_semantics = [#tpu.dimension_semantics<core_parallel>, #tpu.dimension_semantics<subcore_parallel>], iteration_bounds = array<i64: 2, 16>, scalar_prefetch = 0 : i64, scratch_operands = 7 : i64, tpu.core_type = #tpu.core_type<sc_vector_subcore>, window_params = [{transform_indices = #map}, {transform_indices = #map}, {transform_indices = #map1}]} {
    %mul3A = arith.constant 2 : i32
    %mul3A_0 = arith.muli %arg1, %mul3A : i32
    %add3A = arith.addi %mul3A_0, %arg0 : i32
    %mul3A_1 = arith.constant 512 : i32
    %mul3A_2 = arith.muli %add3A, %mul3A_1 : i32
    "tpu.region"() ({
      %run_scoped3A = tpu.sem_alloc : memref<!tpu.dma_semaphore, #tpu.memory_space<semaphore_mem>>
      %dma_start3A_402 = arith.constant 0 : i32
      %dma_start3A_403 = tpu.memref_slice %arg2[%mul3A_2, %dma_start3A_402] : memref<16384x50xi32, #tpu.memory_space<hbm>> -> memref<512x50xi32, #tpu.memory_space<hbm>>
      %dma_start3A_404 = arith.constant 0 : i32
      %dma_start3A_405 = tpu.memref_slice %arg2[%mul3A_2, %dma_start3A_404] : memref<16384x50xi32, #tpu.memory_space<hbm>> -> memref<512x50xi32, #tpu.memory_space<hbm>>
      tpu.enqueue_dma source(%dma_start3A_405 : memref<512x50xi32, #tpu.memory_space<hbm>>) target(%arg5 : memref<512x50xi32, #tpu.memory_space<vmem>>) target_semaphore(%run_scoped3A : memref<!tpu.dma_semaphore, #tpu.memory_space<semaphore_mem>>)
      %dma_wait3A_406 = arith.constant 0 : i32
      %dma_wait3A_407 = tpu.memref_slice %arg2[%mul3A_2, %dma_wait3A_406] : memref<16384x50xi32, #tpu.memory_space<hbm>> -> memref<512x50xi32, #tpu.memory_space<hbm>>
      %dma_wait3A_408 = arith.constant 0 : i32
      %dma_wait3A_409 = tpu.memref_slice %arg2[%mul3A_2, %dma_wait3A_408] : memref<16384x50xi32, #tpu.memory_space<hbm>> -> memref<512x50xi32, #tpu.memory_space<hbm>>
      tpu.wait_dma2 semaphore(%run_scoped3A : memref<!tpu.dma_semaphore, #tpu.memory_space<semaphore_mem>>) src(%dma_wait3A_409 : memref<512x50xi32, #tpu.memory_space<hbm>>) dst(%arg5 : memref<512x50xi32, #tpu.memory_space<vmem>>)
      tpu.yield
    }) : () -> ()
    %dma_start3A = arith.constant 0 : i32
    %dma_start3A_3 = arith.constant 0 : i32
    %dma_start3A_4 = arith.constant 0 : i32
    %dma_start3A_5 = arith.constant 0 : i32
    %dma_start3A_6 = tpu.memref_slice %arg6[%dma_start3A_3, %dma_start3A_4, %dma_start3A_5] : memref<16x50x64xf32, #tpu.memory_space<vmem>> -> memref<1x50x64xf32, #tpu.memory_space<vmem>>
    %dma_start3A_7 = tpu.memref_squeeze %dma_start3A_6 : memref<1x50x64xf32, #tpu.memory_space<vmem>> -> memref<50x64xf32, #tpu.memory_space<vmem>>
    %dma_start3A_8 = arith.constant 0 : i32
    %dma_start3A_9 = tpu.memref_slice %arg5[%dma_start3A, %dma_start3A_8] : memref<512x50xi32, #tpu.memory_space<vmem>> -> memref<1x50xi32, #tpu.memory_space<vmem>>
    %dma_start3A_10 = tpu.memref_squeeze %dma_start3A_9 : memref<1x50xi32, #tpu.memory_space<vmem>> -> memref<50xi32, #tpu.memory_space<vmem>>
    %dma_start3A_11 = arith.constant 0 : i32
    %dma_start3A_12 = arith.constant 0 : i32
    %dma_start3A_13 = tpu.memref_slice %arg3[%dma_start3A_11, %dma_start3A_12] : memref<1000000x64xf32, #tpu.memory_space<hbm>> -> memref<1000000x64xf32, #tpu.memory_space<hbm>>
    tpu.enqueue_indirect_dma source(%dma_start3A_13 : memref<1000000x64xf32, #tpu.memory_space<hbm>>) target(%dma_start3A_7 : memref<50x64xf32, #tpu.memory_space<vmem>>) offsets(%dma_start3A_10 : memref<50xi32, #tpu.memory_space<vmem>>) semaphore(%arg8 : memref<!tpu.dma_semaphore, #tpu.memory_space<semaphore_mem>>)
    %dma_start3A_14 = arith.constant 1 : i32
    %dma_start3A_15 = arith.constant 1 : i32
    %dma_start3A_16 = arith.constant 0 : i32
    %dma_start3A_17 = arith.constant 0 : i32
    %dma_start3A_18 = tpu.memref_slice %arg6[%dma_start3A_15, %dma_start3A_16, %dma_start3A_17] : memref<16x50x64xf32, #tpu.memory_space<vmem>> -> memref<1x50x64xf32, #tpu.memory_space<vmem>>
    %dma_start3A_19 = tpu.memref_squeeze %dma_start3A_18 : memref<1x50x64xf32, #tpu.memory_space<vmem>> -> memref<50x64xf32, #tpu.memory_space<vmem>>
    %dma_start3A_20 = arith.constant 0 : i32
    %dma_start3A_21 = tpu.memref_slice %arg5[%dma_start3A_14, %dma_start3A_20] : memref<512x50xi32, #tpu.memory_space<vmem>> -> memref<1x50xi32, #tpu.memory_space<vmem>>
    %dma_start3A_22 = tpu.memref_squeeze %dma_start3A_21 : memref<1x50xi32, #tpu.memory_space<vmem>> -> memref<50xi32, #tpu.memory_space<vmem>>
    %dma_start3A_23 = arith.constant 0 : i32
    %dma_start3A_24 = arith.constant 0 : i32
    %dma_start3A_25 = tpu.memref_slice %arg3[%dma_start3A_23, %dma_start3A_24] : memref<1000000x64xf32, #tpu.memory_space<hbm>> -> memref<1000000x64xf32, #tpu.memory_space<hbm>>
    tpu.enqueue_indirect_dma source(%dma_start3A_25 : memref<1000000x64xf32, #tpu.memory_space<hbm>>) target(%dma_start3A_19 : memref<50x64xf32, #tpu.memory_space<vmem>>) offsets(%dma_start3A_22 : memref<50xi32, #tpu.memory_space<vmem>>) semaphore(%arg8 : memref<!tpu.dma_semaphore, #tpu.memory_space<semaphore_mem>>)
    %dma_start3A_26 = arith.constant 2 : i32
    %dma_start3A_27 = arith.constant 2 : i32
    %dma_start3A_28 = arith.constant 0 : i32
    %dma_start3A_29 = arith.constant 0 : i32
    %dma_start3A_30 = tpu.memref_slice %arg6[%dma_start3A_27, %dma_start3A_28, %dma_start3A_29] : memref<16x50x64xf32, #tpu.memory_space<vmem>> -> memref<1x50x64xf32, #tpu.memory_space<vmem>>
    %dma_start3A_31 = tpu.memref_squeeze %dma_start3A_30 : memref<1x50x64xf32, #tpu.memory_space<vmem>> -> memref<50x64xf32, #tpu.memory_space<vmem>>
    %dma_start3A_32 = arith.constant 0 : i32
    %dma_start3A_33 = tpu.memref_slice %arg5[%dma_start3A_26, %dma_start3A_32] : memref<512x50xi32, #tpu.memory_space<vmem>> -> memref<1x50xi32, #tpu.memory_space<vmem>>
    %dma_start3A_34 = tpu.memref_squeeze %dma_start3A_33 : memref<1x50xi32, #tpu.memory_space<vmem>> -> memref<50xi32, #tpu.memory_space<vmem>>
    %dma_start3A_35 = arith.constant 0 : i32
    %dma_start3A_36 = arith.constant 0 : i32
    %dma_start3A_37 = tpu.memref_slice %arg3[%dma_start3A_35, %dma_start3A_36] : memref<1000000x64xf32, #tpu.memory_space<hbm>> -> memref<1000000x64xf32, #tpu.memory_space<hbm>>
    tpu.enqueue_indirect_dma source(%dma_start3A_37 : memref<1000000x64xf32, #tpu.memory_space<hbm>>) target(%dma_start3A_31 : memref<50x64xf32, #tpu.memory_space<vmem>>) offsets(%dma_start3A_34 : memref<50xi32, #tpu.memory_space<vmem>>) semaphore(%arg8 : memref<!tpu.dma_semaphore, #tpu.memory_space<semaphore_mem>>)
    %dma_start3A_38 = arith.constant 3 : i32
    %dma_start3A_39 = arith.constant 3 : i32
    %dma_start3A_40 = arith.constant 0 : i32
    %dma_start3A_41 = arith.constant 0 : i32
    %dma_start3A_42 = tpu.memref_slice %arg6[%dma_start3A_39, %dma_start3A_40, %dma_start3A_41] : memref<16x50x64xf32, #tpu.memory_space<vmem>> -> memref<1x50x64xf32, #tpu.memory_space<vmem>>
    %dma_start3A_43 = tpu.memref_squeeze %dma_start3A_42 : memref<1x50x64xf32, #tpu.memory_space<vmem>> -> memref<50x64xf32, #tpu.memory_space<vmem>>
    %dma_start3A_44 = arith.constant 0 : i32
    %dma_start3A_45 = tpu.memref_slice %arg5[%dma_start3A_38, %dma_start3A_44] : memref<512x50xi32, #tpu.memory_space<vmem>> -> memref<1x50xi32, #tpu.memory_space<vmem>>
    %dma_start3A_46 = tpu.memref_squeeze %dma_start3A_45 : memref<1x50xi32, #tpu.memory_space<vmem>> -> memref<50xi32, #tpu.memory_space<vmem>>
    %dma_start3A_47 = arith.constant 0 : i32
    %dma_start3A_48 = arith.constant 0 : i32
    %dma_start3A_49 = tpu.memref_slice %arg3[%dma_start3A_47, %dma_start3A_48] : memref<1000000x64xf32, #tpu.memory_space<hbm>> -> memref<1000000x64xf32, #tpu.memory_space<hbm>>
    tpu.enqueue_indirect_dma source(%dma_start3A_49 : memref<1000000x64xf32, #tpu.memory_space<hbm>>) target(%dma_start3A_43 : memref<50x64xf32, #tpu.memory_space<vmem>>) offsets(%dma_start3A_46 : memref<50xi32, #tpu.memory_space<vmem>>) semaphore(%arg8 : memref<!tpu.dma_semaphore, #tpu.memory_space<semaphore_mem>>)
    %dma_start3A_50 = arith.constant 4 : i32
    %dma_start3A_51 = arith.constant 4 : i32
    %dma_start3A_52 = arith.constant 0 : i32
    %dma_start3A_53 = arith.constant 0 : i32
    %dma_start3A_54 = tpu.memref_slice %arg6[%dma_start3A_51, %dma_start3A_52, %dma_start3A_53] : memref<16x50x64xf32, #tpu.memory_space<vmem>> -> memref<1x50x64xf32, #tpu.memory_space<vmem>>
    %dma_start3A_55 = tpu.memref_squeeze %dma_start3A_54 : memref<1x50x64xf32, #tpu.memory_space<vmem>> -> memref<50x64xf32, #tpu.memory_space<vmem>>
    %dma_start3A_56 = arith.constant 0 : i32
    %dma_start3A_57 = tpu.memref_slice %arg5[%dma_start3A_50, %dma_start3A_56] : memref<512x50xi32, #tpu.memory_space<vmem>> -> memref<1x50xi32, #tpu.memory_space<vmem>>
    %dma_start3A_58 = tpu.memref_squeeze %dma_start3A_57 : memref<1x50xi32, #tpu.memory_space<vmem>> -> memref<50xi32, #tpu.memory_space<vmem>>
    %dma_start3A_59 = arith.constant 0 : i32
    %dma_start3A_60 = arith.constant 0 : i32
    %dma_start3A_61 = tpu.memref_slice %arg3[%dma_start3A_59, %dma_start3A_60] : memref<1000000x64xf32, #tpu.memory_space<hbm>> -> memref<1000000x64xf32, #tpu.memory_space<hbm>>
    tpu.enqueue_indirect_dma source(%dma_start3A_61 : memref<1000000x64xf32, #tpu.memory_space<hbm>>) target(%dma_start3A_55 : memref<50x64xf32, #tpu.memory_space<vmem>>) offsets(%dma_start3A_58 : memref<50xi32, #tpu.memory_space<vmem>>) semaphore(%arg8 : memref<!tpu.dma_semaphore, #tpu.memory_space<semaphore_mem>>)
    %dma_start3A_62 = arith.constant 5 : i32
    %dma_start3A_63 = arith.constant 5 : i32
    %dma_start3A_64 = arith.constant 0 : i32
    %dma_start3A_65 = arith.constant 0 : i32
    %dma_start3A_66 = tpu.memref_slice %arg6[%dma_start3A_63, %dma_start3A_64, %dma_start3A_65] : memref<16x50x64xf32, #tpu.memory_space<vmem>> -> memref<1x50x64xf32, #tpu.memory_space<vmem>>
    %dma_start3A_67 = tpu.memref_squeeze %dma_start3A_66 : memref<1x50x64xf32, #tpu.memory_space<vmem>> -> memref<50x64xf32, #tpu.memory_space<vmem>>
    %dma_start3A_68 = arith.constant 0 : i32
    %dma_start3A_69 = tpu.memref_slice %arg5[%dma_start3A_62, %dma_start3A_68] : memref<512x50xi32, #tpu.memory_space<vmem>> -> memref<1x50xi32, #tpu.memory_space<vmem>>
    %dma_start3A_70 = tpu.memref_squeeze %dma_start3A_69 : memref<1x50xi32, #tpu.memory_space<vmem>> -> memref<50xi32, #tpu.memory_space<vmem>>
    %dma_start3A_71 = arith.constant 0 : i32
    %dma_start3A_72 = arith.constant 0 : i32
    %dma_start3A_73 = tpu.memref_slice %arg3[%dma_start3A_71, %dma_start3A_72] : memref<1000000x64xf32, #tpu.memory_space<hbm>> -> memref<1000000x64xf32, #tpu.memory_space<hbm>>
    tpu.enqueue_indirect_dma source(%dma_start3A_73 : memref<1000000x64xf32, #tpu.memory_space<hbm>>) target(%dma_start3A_67 : memref<50x64xf32, #tpu.memory_space<vmem>>) offsets(%dma_start3A_70 : memref<50xi32, #tpu.memory_space<vmem>>) semaphore(%arg8 : memref<!tpu.dma_semaphore, #tpu.memory_space<semaphore_mem>>)
    %dma_start3A_74 = arith.constant 6 : i32
    %dma_start3A_75 = arith.constant 6 : i32
    %dma_start3A_76 = arith.constant 0 : i32
    %dma_start3A_77 = arith.constant 0 : i32
    %dma_start3A_78 = tpu.memref_slice %arg6[%dma_start3A_75, %dma_start3A_76, %dma_start3A_77] : memref<16x50x64xf32, #tpu.memory_space<vmem>> -> memref<1x50x64xf32, #tpu.memory_space<vmem>>
    %dma_start3A_79 = tpu.memref_squeeze %dma_start3A_78 : memref<1x50x64xf32, #tpu.memory_space<vmem>> -> memref<50x64xf32, #tpu.memory_space<vmem>>
    %dma_start3A_80 = arith.constant 0 : i32
    %dma_start3A_81 = tpu.memref_slice %arg5[%dma_start3A_74, %dma_start3A_80] : memref<512x50xi32, #tpu.memory_space<vmem>> -> memref<1x50xi32, #tpu.memory_space<vmem>>
    %dma_start3A_82 = tpu.memref_squeeze %dma_start3A_81 : memref<1x50xi32, #tpu.memory_space<vmem>> -> memref<50xi32, #tpu.memory_space<vmem>>
    %dma_start3A_83 = arith.constant 0 : i32
    %dma_start3A_84 = arith.constant 0 : i32
    %dma_start3A_85 = tpu.memref_slice %arg3[%dma_start3A_83, %dma_start3A_84] : memref<1000000x64xf32, #tpu.memory_space<hbm>> -> memref<1000000x64xf32, #tpu.memory_space<hbm>>
    tpu.enqueue_indirect_dma source(%dma_start3A_85 : memref<1000000x64xf32, #tpu.memory_space<hbm>>) target(%dma_start3A_79 : memref<50x64xf32, #tpu.memory_space<vmem>>) offsets(%dma_start3A_82 : memref<50xi32, #tpu.memory_space<vmem>>) semaphore(%arg8 : memref<!tpu.dma_semaphore, #tpu.memory_space<semaphore_mem>>)
    %dma_start3A_86 = arith.constant 7 : i32
    %dma_start3A_87 = arith.constant 7 : i32
    %dma_start3A_88 = arith.constant 0 : i32
    %dma_start3A_89 = arith.constant 0 : i32
    %dma_start3A_90 = tpu.memref_slice %arg6[%dma_start3A_87, %dma_start3A_88, %dma_start3A_89] : memref<16x50x64xf32, #tpu.memory_space<vmem>> -> memref<1x50x64xf32, #tpu.memory_space<vmem>>
    %dma_start3A_91 = tpu.memref_squeeze %dma_start3A_90 : memref<1x50x64xf32, #tpu.memory_space<vmem>> -> memref<50x64xf32, #tpu.memory_space<vmem>>
    %dma_start3A_92 = arith.constant 0 : i32
    %dma_start3A_93 = tpu.memref_slice %arg5[%dma_start3A_86, %dma_start3A_92] : memref<512x50xi32, #tpu.memory_space<vmem>> -> memref<1x50xi32, #tpu.memory_space<vmem>>
    %dma_start3A_94 = tpu.memref_squeeze %dma_start3A_93 : memref<1x50xi32, #tpu.memory_space<vmem>> -> memref<50xi32, #tpu.memory_space<vmem>>
    %dma_start3A_95 = arith.constant 0 : i32
    %dma_start3A_96 = arith.constant 0 : i32
    %dma_start3A_97 = tpu.memref_slice %arg3[%dma_start3A_95, %dma_start3A_96] : memref<1000000x64xf32, #tpu.memory_space<hbm>> -> memref<1000000x64xf32, #tpu.memory_space<hbm>>
    tpu.enqueue_indirect_dma source(%dma_start3A_97 : memref<1000000x64xf32, #tpu.memory_space<hbm>>) target(%dma_start3A_91 : memref<50x64xf32, #tpu.memory_space<vmem>>) offsets(%dma_start3A_94 : memref<50xi32, #tpu.memory_space<vmem>>) semaphore(%arg8 : memref<!tpu.dma_semaphore, #tpu.memory_space<semaphore_mem>>)
    %dma_start3A_98 = arith.constant 8 : i32
    %dma_start3A_99 = arith.constant 8 : i32
    %dma_start3A_100 = arith.constant 0 : i32
    %dma_start3A_101 = arith.constant 0 : i32
    %dma_start3A_102 = tpu.memref_slice %arg6[%dma_start3A_99, %dma_start3A_100, %dma_start3A_101] : memref<16x50x64xf32, #tpu.memory_space<vmem>> -> memref<1x50x64xf32, #tpu.memory_space<vmem>>
    %dma_start3A_103 = tpu.memref_squeeze %dma_start3A_102 : memref<1x50x64xf32, #tpu.memory_space<vmem>> -> memref<50x64xf32, #tpu.memory_space<vmem>>
    %dma_start3A_104 = arith.constant 0 : i32
    %dma_start3A_105 = tpu.memref_slice %arg5[%dma_start3A_98, %dma_start3A_104] : memref<512x50xi32, #tpu.memory_space<vmem>> -> memref<1x50xi32, #tpu.memory_space<vmem>>
    %dma_start3A_106 = tpu.memref_squeeze %dma_start3A_105 : memref<1x50xi32, #tpu.memory_space<vmem>> -> memref<50xi32, #tpu.memory_space<vmem>>
    %dma_start3A_107 = arith.constant 0 : i32
    %dma_start3A_108 = arith.constant 0 : i32
    %dma_start3A_109 = tpu.memref_slice %arg3[%dma_start3A_107, %dma_start3A_108] : memref<1000000x64xf32, #tpu.memory_space<hbm>> -> memref<1000000x64xf32, #tpu.memory_space<hbm>>
    tpu.enqueue_indirect_dma source(%dma_start3A_109 : memref<1000000x64xf32, #tpu.memory_space<hbm>>) target(%dma_start3A_103 : memref<50x64xf32, #tpu.memory_space<vmem>>) offsets(%dma_start3A_106 : memref<50xi32, #tpu.memory_space<vmem>>) semaphore(%arg8 : memref<!tpu.dma_semaphore, #tpu.memory_space<semaphore_mem>>)
    %dma_start3A_110 = arith.constant 9 : i32
    %dma_start3A_111 = arith.constant 9 : i32
    %dma_start3A_112 = arith.constant 0 : i32
    %dma_start3A_113 = arith.constant 0 : i32
    %dma_start3A_114 = tpu.memref_slice %arg6[%dma_start3A_111, %dma_start3A_112, %dma_start3A_113] : memref<16x50x64xf32, #tpu.memory_space<vmem>> -> memref<1x50x64xf32, #tpu.memory_space<vmem>>
    %dma_start3A_115 = tpu.memref_squeeze %dma_start3A_114 : memref<1x50x64xf32, #tpu.memory_space<vmem>> -> memref<50x64xf32, #tpu.memory_space<vmem>>
    %dma_start3A_116 = arith.constant 0 : i32
    %dma_start3A_117 = tpu.memref_slice %arg5[%dma_start3A_110, %dma_start3A_116] : memref<512x50xi32, #tpu.memory_space<vmem>> -> memref<1x50xi32, #tpu.memory_space<vmem>>
    %dma_start3A_118 = tpu.memref_squeeze %dma_start3A_117 : memref<1x50xi32, #tpu.memory_space<vmem>> -> memref<50xi32, #tpu.memory_space<vmem>>
    %dma_start3A_119 = arith.constant 0 : i32
    %dma_start3A_120 = arith.constant 0 : i32
    %dma_start3A_121 = tpu.memref_slice %arg3[%dma_start3A_119, %dma_start3A_120] : memref<1000000x64xf32, #tpu.memory_space<hbm>> -> memref<1000000x64xf32, #tpu.memory_space<hbm>>
    tpu.enqueue_indirect_dma source(%dma_start3A_121 : memref<1000000x64xf32, #tpu.memory_space<hbm>>) target(%dma_start3A_115 : memref<50x64xf32, #tpu.memory_space<vmem>>) offsets(%dma_start3A_118 : memref<50xi32, #tpu.memory_space<vmem>>) semaphore(%arg8 : memref<!tpu.dma_semaphore, #tpu.memory_space<semaphore_mem>>)
    %dma_start3A_122 = arith.constant 10 : i32
    %dma_start3A_123 = arith.constant 10 : i32
    %dma_start3A_124 = arith.constant 0 : i32
    %dma_start3A_125 = arith.constant 0 : i32
    %dma_start3A_126 = tpu.memref_slice %arg6[%dma_start3A_123, %dma_start3A_124, %dma_start3A_125] : memref<16x50x64xf32, #tpu.memory_space<vmem>> -> memref<1x50x64xf32, #tpu.memory_space<vmem>>
    %dma_start3A_127 = tpu.memref_squeeze %dma_start3A_126 : memref<1x50x64xf32, #tpu.memory_space<vmem>> -> memref<50x64xf32, #tpu.memory_space<vmem>>
    %dma_start3A_128 = arith.constant 0 : i32
    %dma_start3A_129 = tpu.memref_slice %arg5[%dma_start3A_122, %dma_start3A_128] : memref<512x50xi32, #tpu.memory_space<vmem>> -> memref<1x50xi32, #tpu.memory_space<vmem>>
    %dma_start3A_130 = tpu.memref_squeeze %dma_start3A_129 : memref<1x50xi32, #tpu.memory_space<vmem>> -> memref<50xi32, #tpu.memory_space<vmem>>
    %dma_start3A_131 = arith.constant 0 : i32
    %dma_start3A_132 = arith.constant 0 : i32
    %dma_start3A_133 = tpu.memref_slice %arg3[%dma_start3A_131, %dma_start3A_132] : memref<1000000x64xf32, #tpu.memory_space<hbm>> -> memref<1000000x64xf32, #tpu.memory_space<hbm>>
    tpu.enqueue_indirect_dma source(%dma_start3A_133 : memref<1000000x64xf32, #tpu.memory_space<hbm>>) target(%dma_start3A_127 : memref<50x64xf32, #tpu.memory_space<vmem>>) offsets(%dma_start3A_130 : memref<50xi32, #tpu.memory_space<vmem>>) semaphore(%arg8 : memref<!tpu.dma_semaphore, #tpu.memory_space<semaphore_mem>>)
    %dma_start3A_134 = arith.constant 11 : i32
    %dma_start3A_135 = arith.constant 11 : i32
    %dma_start3A_136 = arith.constant 0 : i32
    %dma_start3A_137 = arith.constant 0 : i32
    %dma_start3A_138 = tpu.memref_slice %arg6[%dma_start3A_135, %dma_start3A_136, %dma_start3A_137] : memref<16x50x64xf32, #tpu.memory_space<vmem>> -> memref<1x50x64xf32, #tpu.memory_space<vmem>>
    %dma_start3A_139 = tpu.memref_squeeze %dma_start3A_138 : memref<1x50x64xf32, #tpu.memory_space<vmem>> -> memref<50x64xf32, #tpu.memory_space<vmem>>
    %dma_start3A_140 = arith.constant 0 : i32
    %dma_start3A_141 = tpu.memref_slice %arg5[%dma_start3A_134, %dma_start3A_140] : memref<512x50xi32, #tpu.memory_space<vmem>> -> memref<1x50xi32, #tpu.memory_space<vmem>>
    %dma_start3A_142 = tpu.memref_squeeze %dma_start3A_141 : memref<1x50xi32, #tpu.memory_space<vmem>> -> memref<50xi32, #tpu.memory_space<vmem>>
    %dma_start3A_143 = arith.constant 0 : i32
    %dma_start3A_144 = arith.constant 0 : i32
    %dma_start3A_145 = tpu.memref_slice %arg3[%dma_start3A_143, %dma_start3A_144] : memref<1000000x64xf32, #tpu.memory_space<hbm>> -> memref<1000000x64xf32, #tpu.memory_space<hbm>>
    tpu.enqueue_indirect_dma source(%dma_start3A_145 : memref<1000000x64xf32, #tpu.memory_space<hbm>>) target(%dma_start3A_139 : memref<50x64xf32, #tpu.memory_space<vmem>>) offsets(%dma_start3A_142 : memref<50xi32, #tpu.memory_space<vmem>>) semaphore(%arg8 : memref<!tpu.dma_semaphore, #tpu.memory_space<semaphore_mem>>)
    %dma_start3A_146 = arith.constant 12 : i32
    %dma_start3A_147 = arith.constant 12 : i32
    %dma_start3A_148 = arith.constant 0 : i32
    %dma_start3A_149 = arith.constant 0 : i32
    %dma_start3A_150 = tpu.memref_slice %arg6[%dma_start3A_147, %dma_start3A_148, %dma_start3A_149] : memref<16x50x64xf32, #tpu.memory_space<vmem>> -> memref<1x50x64xf32, #tpu.memory_space<vmem>>
    %dma_start3A_151 = tpu.memref_squeeze %dma_start3A_150 : memref<1x50x64xf32, #tpu.memory_space<vmem>> -> memref<50x64xf32, #tpu.memory_space<vmem>>
    %dma_start3A_152 = arith.constant 0 : i32
    %dma_start3A_153 = tpu.memref_slice %arg5[%dma_start3A_146, %dma_start3A_152] : memref<512x50xi32, #tpu.memory_space<vmem>> -> memref<1x50xi32, #tpu.memory_space<vmem>>
    %dma_start3A_154 = tpu.memref_squeeze %dma_start3A_153 : memref<1x50xi32, #tpu.memory_space<vmem>> -> memref<50xi32, #tpu.memory_space<vmem>>
    %dma_start3A_155 = arith.constant 0 : i32
    %dma_start3A_156 = arith.constant 0 : i32
    %dma_start3A_157 = tpu.memref_slice %arg3[%dma_start3A_155, %dma_start3A_156] : memref<1000000x64xf32, #tpu.memory_space<hbm>> -> memref<1000000x64xf32, #tpu.memory_space<hbm>>
    tpu.enqueue_indirect_dma source(%dma_start3A_157 : memref<1000000x64xf32, #tpu.memory_space<hbm>>) target(%dma_start3A_151 : memref<50x64xf32, #tpu.memory_space<vmem>>) offsets(%dma_start3A_154 : memref<50xi32, #tpu.memory_space<vmem>>) semaphore(%arg8 : memref<!tpu.dma_semaphore, #tpu.memory_space<semaphore_mem>>)
    %dma_start3A_158 = arith.constant 13 : i32
    %dma_start3A_159 = arith.constant 13 : i32
    %dma_start3A_160 = arith.constant 0 : i32
    %dma_start3A_161 = arith.constant 0 : i32
    %dma_start3A_162 = tpu.memref_slice %arg6[%dma_start3A_159, %dma_start3A_160, %dma_start3A_161] : memref<16x50x64xf32, #tpu.memory_space<vmem>> -> memref<1x50x64xf32, #tpu.memory_space<vmem>>
    %dma_start3A_163 = tpu.memref_squeeze %dma_start3A_162 : memref<1x50x64xf32, #tpu.memory_space<vmem>> -> memref<50x64xf32, #tpu.memory_space<vmem>>
    %dma_start3A_164 = arith.constant 0 : i32
    %dma_start3A_165 = tpu.memref_slice %arg5[%dma_start3A_158, %dma_start3A_164] : memref<512x50xi32, #tpu.memory_space<vmem>> -> memref<1x50xi32, #tpu.memory_space<vmem>>
    %dma_start3A_166 = tpu.memref_squeeze %dma_start3A_165 : memref<1x50xi32, #tpu.memory_space<vmem>> -> memref<50xi32, #tpu.memory_space<vmem>>
    %dma_start3A_167 = arith.constant 0 : i32
    %dma_start3A_168 = arith.constant 0 : i32
    %dma_start3A_169 = tpu.memref_slice %arg3[%dma_start3A_167, %dma_start3A_168] : memref<1000000x64xf32, #tpu.memory_space<hbm>> -> memref<1000000x64xf32, #tpu.memory_space<hbm>>
    tpu.enqueue_indirect_dma source(%dma_start3A_169 : memref<1000000x64xf32, #tpu.memory_space<hbm>>) target(%dma_start3A_163 : memref<50x64xf32, #tpu.memory_space<vmem>>) offsets(%dma_start3A_166 : memref<50xi32, #tpu.memory_space<vmem>>) semaphore(%arg8 : memref<!tpu.dma_semaphore, #tpu.memory_space<semaphore_mem>>)
    %dma_start3A_170 = arith.constant 14 : i32
    %dma_start3A_171 = arith.constant 14 : i32
    %dma_start3A_172 = arith.constant 0 : i32
    %dma_start3A_173 = arith.constant 0 : i32
    %dma_start3A_174 = tpu.memref_slice %arg6[%dma_start3A_171, %dma_start3A_172, %dma_start3A_173] : memref<16x50x64xf32, #tpu.memory_space<vmem>> -> memref<1x50x64xf32, #tpu.memory_space<vmem>>
    %dma_start3A_175 = tpu.memref_squeeze %dma_start3A_174 : memref<1x50x64xf32, #tpu.memory_space<vmem>> -> memref<50x64xf32, #tpu.memory_space<vmem>>
    %dma_start3A_176 = arith.constant 0 : i32
    %dma_start3A_177 = tpu.memref_slice %arg5[%dma_start3A_170, %dma_start3A_176] : memref<512x50xi32, #tpu.memory_space<vmem>> -> memref<1x50xi32, #tpu.memory_space<vmem>>
    %dma_start3A_178 = tpu.memref_squeeze %dma_start3A_177 : memref<1x50xi32, #tpu.memory_space<vmem>> -> memref<50xi32, #tpu.memory_space<vmem>>
    %dma_start3A_179 = arith.constant 0 : i32
    %dma_start3A_180 = arith.constant 0 : i32
    %dma_start3A_181 = tpu.memref_slice %arg3[%dma_start3A_179, %dma_start3A_180] : memref<1000000x64xf32, #tpu.memory_space<hbm>> -> memref<1000000x64xf32, #tpu.memory_space<hbm>>
    tpu.enqueue_indirect_dma source(%dma_start3A_181 : memref<1000000x64xf32, #tpu.memory_space<hbm>>) target(%dma_start3A_175 : memref<50x64xf32, #tpu.memory_space<vmem>>) offsets(%dma_start3A_178 : memref<50xi32, #tpu.memory_space<vmem>>) semaphore(%arg8 : memref<!tpu.dma_semaphore, #tpu.memory_space<semaphore_mem>>)
    %dma_start3A_182 = arith.constant 15 : i32
    %dma_start3A_183 = arith.constant 15 : i32
    %dma_start3A_184 = arith.constant 0 : i32
    %dma_start3A_185 = arith.constant 0 : i32
    %dma_start3A_186 = tpu.memref_slice %arg6[%dma_start3A_183, %dma_start3A_184, %dma_start3A_185] : memref<16x50x64xf32, #tpu.memory_space<vmem>> -> memref<1x50x64xf32, #tpu.memory_space<vmem>>
    %dma_start3A_187 = tpu.memref_squeeze %dma_start3A_186 : memref<1x50x64xf32, #tpu.memory_space<vmem>> -> memref<50x64xf32, #tpu.memory_space<vmem>>
    %dma_start3A_188 = arith.constant 0 : i32
    %dma_start3A_189 = tpu.memref_slice %arg5[%dma_start3A_182, %dma_start3A_188] : memref<512x50xi32, #tpu.memory_space<vmem>> -> memref<1x50xi32, #tpu.memory_space<vmem>>
    %dma_start3A_190 = tpu.memref_squeeze %dma_start3A_189 : memref<1x50xi32, #tpu.memory_space<vmem>> -> memref<50xi32, #tpu.memory_space<vmem>>
    %dma_start3A_191 = arith.constant 0 : i32
    %dma_start3A_192 = arith.constant 0 : i32
    %dma_start3A_193 = tpu.memref_slice %arg3[%dma_start3A_191, %dma_start3A_192] : memref<1000000x64xf32, #tpu.memory_space<hbm>> -> memref<1000000x64xf32, #tpu.memory_space<hbm>>
    tpu.enqueue_indirect_dma source(%dma_start3A_193 : memref<1000000x64xf32, #tpu.memory_space<hbm>>) target(%dma_start3A_187 : memref<50x64xf32, #tpu.memory_space<vmem>>) offsets(%dma_start3A_190 : memref<50xi32, #tpu.memory_space<vmem>>) semaphore(%arg8 : memref<!tpu.dma_semaphore, #tpu.memory_space<semaphore_mem>>)
    %dma_start3A_194 = arith.constant 16 : i32
    %dma_start3A_195 = arith.constant 0 : i32
    %dma_start3A_196 = arith.constant 0 : i32
    %dma_start3A_197 = arith.constant 0 : i32
    %dma_start3A_198 = tpu.memref_slice %arg7[%dma_start3A_195, %dma_start3A_196, %dma_start3A_197] : memref<16x50x64xf32, #tpu.memory_space<vmem>> -> memref<1x50x64xf32, #tpu.memory_space<vmem>>
    %dma_start3A_199 = tpu.memref_squeeze %dma_start3A_198 : memref<1x50x64xf32, #tpu.memory_space<vmem>> -> memref<50x64xf32, #tpu.memory_space<vmem>>
    %dma_start3A_200 = arith.constant 0 : i32
    %dma_start3A_201 = tpu.memref_slice %arg5[%dma_start3A_194, %dma_start3A_200] : memref<512x50xi32, #tpu.memory_space<vmem>> -> memref<1x50xi32, #tpu.memory_space<vmem>>
    %dma_start3A_202 = tpu.memref_squeeze %dma_start3A_201 : memref<1x50xi32, #tpu.memory_space<vmem>> -> memref<50xi32, #tpu.memory_space<vmem>>
    %dma_start3A_203 = arith.constant 0 : i32
    %dma_start3A_204 = arith.constant 0 : i32
    %dma_start3A_205 = tpu.memref_slice %arg3[%dma_start3A_203, %dma_start3A_204] : memref<1000000x64xf32, #tpu.memory_space<hbm>> -> memref<1000000x64xf32, #tpu.memory_space<hbm>>
    tpu.enqueue_indirect_dma source(%dma_start3A_205 : memref<1000000x64xf32, #tpu.memory_space<hbm>>) target(%dma_start3A_199 : memref<50x64xf32, #tpu.memory_space<vmem>>) offsets(%dma_start3A_202 : memref<50xi32, #tpu.memory_space<vmem>>) semaphore(%arg9 : memref<!tpu.dma_semaphore, #tpu.memory_space<semaphore_mem>>)
    %dma_start3A_206 = arith.constant 17 : i32
    %dma_start3A_207 = arith.constant 1 : i32
    %dma_start3A_208 = arith.constant 0 : i32
    %dma_start3A_209 = arith.constant 0 : i32
    %dma_start3A_210 = tpu.memref_slice %arg7[%dma_start3A_207, %dma_start3A_208, %dma_start3A_209] : memref<16x50x64xf32, #tpu.memory_space<vmem>> -> memref<1x50x64xf32, #tpu.memory_space<vmem>>
    %dma_start3A_211 = tpu.memref_squeeze %dma_start3A_210 : memref<1x50x64xf32, #tpu.memory_space<vmem>> -> memref<50x64xf32, #tpu.memory_space<vmem>>
    %dma_start3A_212 = arith.constant 0 : i32
    %dma_start3A_213 = tpu.memref_slice %arg5[%dma_start3A_206, %dma_start3A_212] : memref<512x50xi32, #tpu.memory_space<vmem>> -> memref<1x50xi32, #tpu.memory_space<vmem>>
    %dma_start3A_214 = tpu.memref_squeeze %dma_start3A_213 : memref<1x50xi32, #tpu.memory_space<vmem>> -> memref<50xi32, #tpu.memory_space<vmem>>
    %dma_start3A_215 = arith.constant 0 : i32
    %dma_start3A_216 = arith.constant 0 : i32
    %dma_start3A_217 = tpu.memref_slice %arg3[%dma_start3A_215, %dma_start3A_216] : memref<1000000x64xf32, #tpu.memory_space<hbm>> -> memref<1000000x64xf32, #tpu.memory_space<hbm>>
    tpu.enqueue_indirect_dma source(%dma_start3A_217 : memref<1000000x64xf32, #tpu.memory_space<hbm>>) target(%dma_start3A_211 : memref<50x64xf32, #tpu.memory_space<vmem>>) offsets(%dma_start3A_214 : memref<50xi32, #tpu.memory_space<vmem>>) semaphore(%arg9 : memref<!tpu.dma_semaphore, #tpu.memory_space<semaphore_mem>>)
    %dma_start3A_218 = arith.constant 18 : i32
    %dma_start3A_219 = arith.constant 2 : i32
    %dma_start3A_220 = arith.constant 0 : i32
    %dma_start3A_221 = arith.constant 0 : i32
    %dma_start3A_222 = tpu.memref_slice %arg7[%dma_start3A_219, %dma_start3A_220, %dma_start3A_221] : memref<16x50x64xf32, #tpu.memory_space<vmem>> -> memref<1x50x64xf32, #tpu.memory_space<vmem>>
    %dma_start3A_223 = tpu.memref_squeeze %dma_start3A_222 : memref<1x50x64xf32, #tpu.memory_space<vmem>> -> memref<50x64xf32, #tpu.memory_space<vmem>>
    %dma_start3A_224 = arith.constant 0 : i32
    %dma_start3A_225 = tpu.memref_slice %arg5[%dma_start3A_218, %dma_start3A_224] : memref<512x50xi32, #tpu.memory_space<vmem>> -> memref<1x50xi32, #tpu.memory_space<vmem>>
    %dma_start3A_226 = tpu.memref_squeeze %dma_start3A_225 : memref<1x50xi32, #tpu.memory_space<vmem>> -> memref<50xi32, #tpu.memory_space<vmem>>
    %dma_start3A_227 = arith.constant 0 : i32
    %dma_start3A_228 = arith.constant 0 : i32
    %dma_start3A_229 = tpu.memref_slice %arg3[%dma_start3A_227, %dma_start3A_228] : memref<1000000x64xf32, #tpu.memory_space<hbm>> -> memref<1000000x64xf32, #tpu.memory_space<hbm>>
    tpu.enqueue_indirect_dma source(%dma_start3A_229 : memref<1000000x64xf32, #tpu.memory_space<hbm>>) target(%dma_start3A_223 : memref<50x64xf32, #tpu.memory_space<vmem>>) offsets(%dma_start3A_226 : memref<50xi32, #tpu.memory_space<vmem>>) semaphore(%arg9 : memref<!tpu.dma_semaphore, #tpu.memory_space<semaphore_mem>>)
    %dma_start3A_230 = arith.constant 19 : i32
    %dma_start3A_231 = arith.constant 3 : i32
    %dma_start3A_232 = arith.constant 0 : i32
    %dma_start3A_233 = arith.constant 0 : i32
    %dma_start3A_234 = tpu.memref_slice %arg7[%dma_start3A_231, %dma_start3A_232, %dma_start3A_233] : memref<16x50x64xf32, #tpu.memory_space<vmem>> -> memref<1x50x64xf32, #tpu.memory_space<vmem>>
    %dma_start3A_235 = tpu.memref_squeeze %dma_start3A_234 : memref<1x50x64xf32, #tpu.memory_space<vmem>> -> memref<50x64xf32, #tpu.memory_space<vmem>>
    %dma_start3A_236 = arith.constant 0 : i32
    %dma_start3A_237 = tpu.memref_slice %arg5[%dma_start3A_230, %dma_start3A_236] : memref<512x50xi32, #tpu.memory_space<vmem>> -> memref<1x50xi32, #tpu.memory_space<vmem>>
    %dma_start3A_238 = tpu.memref_squeeze %dma_start3A_237 : memref<1x50xi32, #tpu.memory_space<vmem>> -> memref<50xi32, #tpu.memory_space<vmem>>
    %dma_start3A_239 = arith.constant 0 : i32
    %dma_start3A_240 = arith.constant 0 : i32
    %dma_start3A_241 = tpu.memref_slice %arg3[%dma_start3A_239, %dma_start3A_240] : memref<1000000x64xf32, #tpu.memory_space<hbm>> -> memref<1000000x64xf32, #tpu.memory_space<hbm>>
    tpu.enqueue_indirect_dma source(%dma_start3A_241 : memref<1000000x64xf32, #tpu.memory_space<hbm>>) target(%dma_start3A_235 : memref<50x64xf32, #tpu.memory_space<vmem>>) offsets(%dma_start3A_238 : memref<50xi32, #tpu.memory_space<vmem>>) semaphore(%arg9 : memref<!tpu.dma_semaphore, #tpu.memory_space<semaphore_mem>>)
    %dma_start3A_242 = arith.constant 20 : i32
    %dma_start3A_243 = arith.constant 4 : i32
    %dma_start3A_244 = arith.constant 0 : i32
    %dma_start3A_245 = arith.constant 0 : i32
    %dma_start3A_246 = tpu.memref_slice %arg7[%dma_start3A_243, %dma_start3A_244, %dma_start3A_245] : memref<16x50x64xf32, #tpu.memory_space<vmem>> -> memref<1x50x64xf32, #tpu.memory_space<vmem>>
    %dma_start3A_247 = tpu.memref_squeeze %dma_start3A_246 : memref<1x50x64xf32, #tpu.memory_space<vmem>> -> memref<50x64xf32, #tpu.memory_space<vmem>>
    %dma_start3A_248 = arith.constant 0 : i32
    %dma_start3A_249 = tpu.memref_slice %arg5[%dma_start3A_242, %dma_start3A_248] : memref<512x50xi32, #tpu.memory_space<vmem>> -> memref<1x50xi32, #tpu.memory_space<vmem>>
    %dma_start3A_250 = tpu.memref_squeeze %dma_start3A_249 : memref<1x50xi32, #tpu.memory_space<vmem>> -> memref<50xi32, #tpu.memory_space<vmem>>
    %dma_start3A_251 = arith.constant 0 : i32
    %dma_start3A_252 = arith.constant 0 : i32
    %dma_start3A_253 = tpu.memref_slice %arg3[%dma_start3A_251, %dma_start3A_252] : memref<1000000x64xf32, #tpu.memory_space<hbm>> -> memref<1000000x64xf32, #tpu.memory_space<hbm>>
    tpu.enqueue_indirect_dma source(%dma_start3A_253 : memref<1000000x64xf32, #tpu.memory_space<hbm>>) target(%dma_start3A_247 : memref<50x64xf32, #tpu.memory_space<vmem>>) offsets(%dma_start3A_250 : memref<50xi32, #tpu.memory_space<vmem>>) semaphore(%arg9 : memref<!tpu.dma_semaphore, #tpu.memory_space<semaphore_mem>>)
    %dma_start3A_254 = arith.constant 21 : i32
    %dma_start3A_255 = arith.constant 5 : i32
    %dma_start3A_256 = arith.constant 0 : i32
    %dma_start3A_257 = arith.constant 0 : i32
    %dma_start3A_258 = tpu.memref_slice %arg7[%dma_start3A_255, %dma_start3A_256, %dma_start3A_257] : memref<16x50x64xf32, #tpu.memory_space<vmem>> -> memref<1x50x64xf32, #tpu.memory_space<vmem>>
    %dma_start3A_259 = tpu.memref_squeeze %dma_start3A_258 : memref<1x50x64xf32, #tpu.memory_space<vmem>> -> memref<50x64xf32, #tpu.memory_space<vmem>>
    %dma_start3A_260 = arith.constant 0 : i32
    %dma_start3A_261 = tpu.memref_slice %arg5[%dma_start3A_254, %dma_start3A_260] : memref<512x50xi32, #tpu.memory_space<vmem>> -> memref<1x50xi32, #tpu.memory_space<vmem>>
    %dma_start3A_262 = tpu.memref_squeeze %dma_start3A_261 : memref<1x50xi32, #tpu.memory_space<vmem>> -> memref<50xi32, #tpu.memory_space<vmem>>
    %dma_start3A_263 = arith.constant 0 : i32
    %dma_start3A_264 = arith.constant 0 : i32
    %dma_start3A_265 = tpu.memref_slice %arg3[%dma_start3A_263, %dma_start3A_264] : memref<1000000x64xf32, #tpu.memory_space<hbm>> -> memref<1000000x64xf32, #tpu.memory_space<hbm>>
    tpu.enqueue_indirect_dma source(%dma_start3A_265 : memref<1000000x64xf32, #tpu.memory_space<hbm>>) target(%dma_start3A_259 : memref<50x64xf32, #tpu.memory_space<vmem>>) offsets(%dma_start3A_262 : memref<50xi32, #tpu.memory_space<vmem>>) semaphore(%arg9 : memref<!tpu.dma_semaphore, #tpu.memory_space<semaphore_mem>>)
    %dma_start3A_266 = arith.constant 22 : i32
    %dma_start3A_267 = arith.constant 6 : i32
    %dma_start3A_268 = arith.constant 0 : i32
    %dma_start3A_269 = arith.constant 0 : i32
    %dma_start3A_270 = tpu.memref_slice %arg7[%dma_start3A_267, %dma_start3A_268, %dma_start3A_269] : memref<16x50x64xf32, #tpu.memory_space<vmem>> -> memref<1x50x64xf32, #tpu.memory_space<vmem>>
    %dma_start3A_271 = tpu.memref_squeeze %dma_start3A_270 : memref<1x50x64xf32, #tpu.memory_space<vmem>> -> memref<50x64xf32, #tpu.memory_space<vmem>>
    %dma_start3A_272 = arith.constant 0 : i32
    %dma_start3A_273 = tpu.memref_slice %arg5[%dma_start3A_266, %dma_start3A_272] : memref<512x50xi32, #tpu.memory_space<vmem>> -> memref<1x50xi32, #tpu.memory_space<vmem>>
    %dma_start3A_274 = tpu.memref_squeeze %dma_start3A_273 : memref<1x50xi32, #tpu.memory_space<vmem>> -> memref<50xi32, #tpu.memory_space<vmem>>
    %dma_start3A_275 = arith.constant 0 : i32
    %dma_start3A_276 = arith.constant 0 : i32
    %dma_start3A_277 = tpu.memref_slice %arg3[%dma_start3A_275, %dma_start3A_276] : memref<1000000x64xf32, #tpu.memory_space<hbm>> -> memref<1000000x64xf32, #tpu.memory_space<hbm>>
    tpu.enqueue_indirect_dma source(%dma_start3A_277 : memref<1000000x64xf32, #tpu.memory_space<hbm>>) target(%dma_start3A_271 : memref<50x64xf32, #tpu.memory_space<vmem>>) offsets(%dma_start3A_274 : memref<50xi32, #tpu.memory_space<vmem>>) semaphore(%arg9 : memref<!tpu.dma_semaphore, #tpu.memory_space<semaphore_mem>>)
    %dma_start3A_278 = arith.constant 23 : i32
    %dma_start3A_279 = arith.constant 7 : i32
    %dma_start3A_280 = arith.constant 0 : i32
    %dma_start3A_281 = arith.constant 0 : i32
    %dma_start3A_282 = tpu.memref_slice %arg7[%dma_start3A_279, %dma_start3A_280, %dma_start3A_281] : memref<16x50x64xf32, #tpu.memory_space<vmem>> -> memref<1x50x64xf32, #tpu.memory_space<vmem>>
    %dma_start3A_283 = tpu.memref_squeeze %dma_start3A_282 : memref<1x50x64xf32, #tpu.memory_space<vmem>> -> memref<50x64xf32, #tpu.memory_space<vmem>>
    %dma_start3A_284 = arith.constant 0 : i32
    %dma_start3A_285 = tpu.memref_slice %arg5[%dma_start3A_278, %dma_start3A_284] : memref<512x50xi32, #tpu.memory_space<vmem>> -> memref<1x50xi32, #tpu.memory_space<vmem>>
    %dma_start3A_286 = tpu.memref_squeeze %dma_start3A_285 : memref<1x50xi32, #tpu.memory_space<vmem>> -> memref<50xi32, #tpu.memory_space<vmem>>
    %dma_start3A_287 = arith.constant 0 : i32
    %dma_start3A_288 = arith.constant 0 : i32
    %dma_start3A_289 = tpu.memref_slice %arg3[%dma_start3A_287, %dma_start3A_288] : memref<1000000x64xf32, #tpu.memory_space<hbm>> -> memref<1000000x64xf32, #tpu.memory_space<hbm>>
    tpu.enqueue_indirect_dma source(%dma_start3A_289 : memref<1000000x64xf32, #tpu.memory_space<hbm>>) target(%dma_start3A_283 : memref<50x64xf32, #tpu.memory_space<vmem>>) offsets(%dma_start3A_286 : memref<50xi32, #tpu.memory_space<vmem>>) semaphore(%arg9 : memref<!tpu.dma_semaphore, #tpu.memory_space<semaphore_mem>>)
    %dma_start3A_290 = arith.constant 24 : i32
    %dma_start3A_291 = arith.constant 8 : i32
    %dma_start3A_292 = arith.constant 0 : i32
    %dma_start3A_293 = arith.constant 0 : i32
    %dma_start3A_294 = tpu.memref_slice %arg7[%dma_start3A_291, %dma_start3A_292, %dma_start3A_293] : memref<16x50x64xf32, #tpu.memory_space<vmem>> -> memref<1x50x64xf32, #tpu.memory_space<vmem>>
    %dma_start3A_295 = tpu.memref_squeeze %dma_start3A_294 : memref<1x50x64xf32, #tpu.memory_space<vmem>> -> memref<50x64xf32, #tpu.memory_space<vmem>>
    %dma_start3A_296 = arith.constant 0 : i32
    %dma_start3A_297 = tpu.memref_slice %arg5[%dma_start3A_290, %dma_start3A_296] : memref<512x50xi32, #tpu.memory_space<vmem>> -> memref<1x50xi32, #tpu.memory_space<vmem>>
    %dma_start3A_298 = tpu.memref_squeeze %dma_start3A_297 : memref<1x50xi32, #tpu.memory_space<vmem>> -> memref<50xi32, #tpu.memory_space<vmem>>
    %dma_start3A_299 = arith.constant 0 : i32
    %dma_start3A_300 = arith.constant 0 : i32
    %dma_start3A_301 = tpu.memref_slice %arg3[%dma_start3A_299, %dma_start3A_300] : memref<1000000x64xf32, #tpu.memory_space<hbm>> -> memref<1000000x64xf32, #tpu.memory_space<hbm>>
    tpu.enqueue_indirect_dma source(%dma_start3A_301 : memref<1000000x64xf32, #tpu.memory_space<hbm>>) target(%dma_start3A_295 : memref<50x64xf32, #tpu.memory_space<vmem>>) offsets(%dma_start3A_298 : memref<50xi32, #tpu.memory_space<vmem>>) semaphore(%arg9 : memref<!tpu.dma_semaphore, #tpu.memory_space<semaphore_mem>>)
    %dma_start3A_302 = arith.constant 25 : i32
    %dma_start3A_303 = arith.constant 9 : i32
    %dma_start3A_304 = arith.constant 0 : i32
    %dma_start3A_305 = arith.constant 0 : i32
    %dma_start3A_306 = tpu.memref_slice %arg7[%dma_start3A_303, %dma_start3A_304, %dma_start3A_305] : memref<16x50x64xf32, #tpu.memory_space<vmem>> -> memref<1x50x64xf32, #tpu.memory_space<vmem>>
    %dma_start3A_307 = tpu.memref_squeeze %dma_start3A_306 : memref<1x50x64xf32, #tpu.memory_space<vmem>> -> memref<50x64xf32, #tpu.memory_space<vmem>>
    %dma_start3A_308 = arith.constant 0 : i32
    %dma_start3A_309 = tpu.memref_slice %arg5[%dma_start3A_302, %dma_start3A_308] : memref<512x50xi32, #tpu.memory_space<vmem>> -> memref<1x50xi32, #tpu.memory_space<vmem>>
    %dma_start3A_310 = tpu.memref_squeeze %dma_start3A_309 : memref<1x50xi32, #tpu.memory_space<vmem>> -> memref<50xi32, #tpu.memory_space<vmem>>
    %dma_start3A_311 = arith.constant 0 : i32
    %dma_start3A_312 = arith.constant 0 : i32
    %dma_start3A_313 = tpu.memref_slice %arg3[%dma_start3A_311, %dma_start3A_312] : memref<1000000x64xf32, #tpu.memory_space<hbm>> -> memref<1000000x64xf32, #tpu.memory_space<hbm>>
    tpu.enqueue_indirect_dma source(%dma_start3A_313 : memref<1000000x64xf32, #tpu.memory_space<hbm>>) target(%dma_start3A_307 : memref<50x64xf32, #tpu.memory_space<vmem>>) offsets(%dma_start3A_310 : memref<50xi32, #tpu.memory_space<vmem>>) semaphore(%arg9 : memref<!tpu.dma_semaphore, #tpu.memory_space<semaphore_mem>>)
    %dma_start3A_314 = arith.constant 26 : i32
    %dma_start3A_315 = arith.constant 10 : i32
    %dma_start3A_316 = arith.constant 0 : i32
    %dma_start3A_317 = arith.constant 0 : i32
    %dma_start3A_318 = tpu.memref_slice %arg7[%dma_start3A_315, %dma_start3A_316, %dma_start3A_317] : memref<16x50x64xf32, #tpu.memory_space<vmem>> -> memref<1x50x64xf32, #tpu.memory_space<vmem>>
    %dma_start3A_319 = tpu.memref_squeeze %dma_start3A_318 : memref<1x50x64xf32, #tpu.memory_space<vmem>> -> memref<50x64xf32, #tpu.memory_space<vmem>>
    %dma_start3A_320 = arith.constant 0 : i32
    %dma_start3A_321 = tpu.memref_slice %arg5[%dma_start3A_314, %dma_start3A_320] : memref<512x50xi32, #tpu.memory_space<vmem>> -> memref<1x50xi32, #tpu.memory_space<vmem>>
    %dma_start3A_322 = tpu.memref_squeeze %dma_start3A_321 : memref<1x50xi32, #tpu.memory_space<vmem>> -> memref<50xi32, #tpu.memory_space<vmem>>
    %dma_start3A_323 = arith.constant 0 : i32
    %dma_start3A_324 = arith.constant 0 : i32
    %dma_start3A_325 = tpu.memref_slice %arg3[%dma_start3A_323, %dma_start3A_324] : memref<1000000x64xf32, #tpu.memory_space<hbm>> -> memref<1000000x64xf32, #tpu.memory_space<hbm>>
    tpu.enqueue_indirect_dma source(%dma_start3A_325 : memref<1000000x64xf32, #tpu.memory_space<hbm>>) target(%dma_start3A_319 : memref<50x64xf32, #tpu.memory_space<vmem>>) offsets(%dma_start3A_322 : memref<50xi32, #tpu.memory_space<vmem>>) semaphore(%arg9 : memref<!tpu.dma_semaphore, #tpu.memory_space<semaphore_mem>>)
    %dma_start3A_326 = arith.constant 27 : i32
    %dma_start3A_327 = arith.constant 11 : i32
    %dma_start3A_328 = arith.constant 0 : i32
    %dma_start3A_329 = arith.constant 0 : i32
    %dma_start3A_330 = tpu.memref_slice %arg7[%dma_start3A_327, %dma_start3A_328, %dma_start3A_329] : memref<16x50x64xf32, #tpu.memory_space<vmem>> -> memref<1x50x64xf32, #tpu.memory_space<vmem>>
    %dma_start3A_331 = tpu.memref_squeeze %dma_start3A_330 : memref<1x50x64xf32, #tpu.memory_space<vmem>> -> memref<50x64xf32, #tpu.memory_space<vmem>>
    %dma_start3A_332 = arith.constant 0 : i32
    %dma_start3A_333 = tpu.memref_slice %arg5[%dma_start3A_326, %dma_start3A_332] : memref<512x50xi32, #tpu.memory_space<vmem>> -> memref<1x50xi32, #tpu.memory_space<vmem>>
    %dma_start3A_334 = tpu.memref_squeeze %dma_start3A_333 : memref<1x50xi32, #tpu.memory_space<vmem>> -> memref<50xi32, #tpu.memory_space<vmem>>
    %dma_start3A_335 = arith.constant 0 : i32
    %dma_start3A_336 = arith.constant 0 : i32
    %dma_start3A_337 = tpu.memref_slice %arg3[%dma_start3A_335, %dma_start3A_336] : memref<1000000x64xf32, #tpu.memory_space<hbm>> -> memref<1000000x64xf32, #tpu.memory_space<hbm>>
    tpu.enqueue_indirect_dma source(%dma_start3A_337 : memref<1000000x64xf32, #tpu.memory_space<hbm>>) target(%dma_start3A_331 : memref<50x64xf32, #tpu.memory_space<vmem>>) offsets(%dma_start3A_334 : memref<50xi32, #tpu.memory_space<vmem>>) semaphore(%arg9 : memref<!tpu.dma_semaphore, #tpu.memory_space<semaphore_mem>>)
    %dma_start3A_338 = arith.constant 28 : i32
    %dma_start3A_339 = arith.constant 12 : i32
    %dma_start3A_340 = arith.constant 0 : i32
    %dma_start3A_341 = arith.constant 0 : i32
    %dma_start3A_342 = tpu.memref_slice %arg7[%dma_start3A_339, %dma_start3A_340, %dma_start3A_341] : memref<16x50x64xf32, #tpu.memory_space<vmem>> -> memref<1x50x64xf32, #tpu.memory_space<vmem>>
    %dma_start3A_343 = tpu.memref_squeeze %dma_start3A_342 : memref<1x50x64xf32, #tpu.memory_space<vmem>> -> memref<50x64xf32, #tpu.memory_space<vmem>>
    %dma_start3A_344 = arith.constant 0 : i32
    %dma_start3A_345 = tpu.memref_slice %arg5[%dma_start3A_338, %dma_start3A_344] : memref<512x50xi32, #tpu.memory_space<vmem>> -> memref<1x50xi32, #tpu.memory_space<vmem>>
    %dma_start3A_346 = tpu.memref_squeeze %dma_start3A_345 : memref<1x50xi32, #tpu.memory_space<vmem>> -> memref<50xi32, #tpu.memory_space<vmem>>
    %dma_start3A_347 = arith.constant 0 : i32
    %dma_start3A_348 = arith.constant 0 : i32
    %dma_start3A_349 = tpu.memref_slice %arg3[%dma_start3A_347, %dma_start3A_348] : memref<1000000x64xf32, #tpu.memory_space<hbm>> -> memref<1000000x64xf32, #tpu.memory_space<hbm>>
    tpu.enqueue_indirect_dma source(%dma_start3A_349 : memref<1000000x64xf32, #tpu.memory_space<hbm>>) target(%dma_start3A_343 : memref<50x64xf32, #tpu.memory_space<vmem>>) offsets(%dma_start3A_346 : memref<50xi32, #tpu.memory_space<vmem>>) semaphore(%arg9 : memref<!tpu.dma_semaphore, #tpu.memory_space<semaphore_mem>>)
    %dma_start3A_350 = arith.constant 29 : i32
    %dma_start3A_351 = arith.constant 13 : i32
    %dma_start3A_352 = arith.constant 0 : i32
    %dma_start3A_353 = arith.constant 0 : i32
    %dma_start3A_354 = tpu.memref_slice %arg7[%dma_start3A_351, %dma_start3A_352, %dma_start3A_353] : memref<16x50x64xf32, #tpu.memory_space<vmem>> -> memref<1x50x64xf32, #tpu.memory_space<vmem>>
    %dma_start3A_355 = tpu.memref_squeeze %dma_start3A_354 : memref<1x50x64xf32, #tpu.memory_space<vmem>> -> memref<50x64xf32, #tpu.memory_space<vmem>>
    %dma_start3A_356 = arith.constant 0 : i32
    %dma_start3A_357 = tpu.memref_slice %arg5[%dma_start3A_350, %dma_start3A_356] : memref<512x50xi32, #tpu.memory_space<vmem>> -> memref<1x50xi32, #tpu.memory_space<vmem>>
    %dma_start3A_358 = tpu.memref_squeeze %dma_start3A_357 : memref<1x50xi32, #tpu.memory_space<vmem>> -> memref<50xi32, #tpu.memory_space<vmem>>
    %dma_start3A_359 = arith.constant 0 : i32
    %dma_start3A_360 = arith.constant 0 : i32
    %dma_start3A_361 = tpu.memref_slice %arg3[%dma_start3A_359, %dma_start3A_360] : memref<1000000x64xf32, #tpu.memory_space<hbm>> -> memref<1000000x64xf32, #tpu.memory_space<hbm>>
    tpu.enqueue_indirect_dma source(%dma_start3A_361 : memref<1000000x64xf32, #tpu.memory_space<hbm>>) target(%dma_start3A_355 : memref<50x64xf32, #tpu.memory_space<vmem>>) offsets(%dma_start3A_358 : memref<50xi32, #tpu.memory_space<vmem>>) semaphore(%arg9 : memref<!tpu.dma_semaphore, #tpu.memory_space<semaphore_mem>>)
    %dma_start3A_362 = arith.constant 30 : i32
    %dma_start3A_363 = arith.constant 14 : i32
    %dma_start3A_364 = arith.constant 0 : i32
    %dma_start3A_365 = arith.constant 0 : i32
    %dma_start3A_366 = tpu.memref_slice %arg7[%dma_start3A_363, %dma_start3A_364, %dma_start3A_365] : memref<16x50x64xf32, #tpu.memory_space<vmem>> -> memref<1x50x64xf32, #tpu.memory_space<vmem>>
    %dma_start3A_367 = tpu.memref_squeeze %dma_start3A_366 : memref<1x50x64xf32, #tpu.memory_space<vmem>> -> memref<50x64xf32, #tpu.memory_space<vmem>>
    %dma_start3A_368 = arith.constant 0 : i32
    %dma_start3A_369 = tpu.memref_slice %arg5[%dma_start3A_362, %dma_start3A_368] : memref<512x50xi32, #tpu.memory_space<vmem>> -> memref<1x50xi32, #tpu.memory_space<vmem>>
    %dma_start3A_370 = tpu.memref_squeeze %dma_start3A_369 : memref<1x50xi32, #tpu.memory_space<vmem>> -> memref<50xi32, #tpu.memory_space<vmem>>
    %dma_start3A_371 = arith.constant 0 : i32
    %dma_start3A_372 = arith.constant 0 : i32
    %dma_start3A_373 = tpu.memref_slice %arg3[%dma_start3A_371, %dma_start3A_372] : memref<1000000x64xf32, #tpu.memory_space<hbm>> -> memref<1000000x64xf32, #tpu.memory_space<hbm>>
    tpu.enqueue_indirect_dma source(%dma_start3A_373 : memref<1000000x64xf32, #tpu.memory_space<hbm>>) target(%dma_start3A_367 : memref<50x64xf32, #tpu.memory_space<vmem>>) offsets(%dma_start3A_370 : memref<50xi32, #tpu.memory_space<vmem>>) semaphore(%arg9 : memref<!tpu.dma_semaphore, #tpu.memory_space<semaphore_mem>>)
    %dma_start3A_374 = arith.constant 31 : i32
    %dma_start3A_375 = arith.constant 15 : i32
    %dma_start3A_376 = arith.constant 0 : i32
    %dma_start3A_377 = arith.constant 0 : i32
    %dma_start3A_378 = tpu.memref_slice %arg7[%dma_start3A_375, %dma_start3A_376, %dma_start3A_377] : memref<16x50x64xf32, #tpu.memory_space<vmem>> -> memref<1x50x64xf32, #tpu.memory_space<vmem>>
    %dma_start3A_379 = tpu.memref_squeeze %dma_start3A_378 : memref<1x50x64xf32, #tpu.memory_space<vmem>> -> memref<50x64xf32, #tpu.memory_space<vmem>>
    %dma_start3A_380 = arith.constant 0 : i32
    %dma_start3A_381 = tpu.memref_slice %arg5[%dma_start3A_374, %dma_start3A_380] : memref<512x50xi32, #tpu.memory_space<vmem>> -> memref<1x50xi32, #tpu.memory_space<vmem>>
    %dma_start3A_382 = tpu.memref_squeeze %dma_start3A_381 : memref<1x50xi32, #tpu.memory_space<vmem>> -> memref<50xi32, #tpu.memory_space<vmem>>
    %dma_start3A_383 = arith.constant 0 : i32
    %dma_start3A_384 = arith.constant 0 : i32
    %dma_start3A_385 = tpu.memref_slice %arg3[%dma_start3A_383, %dma_start3A_384] : memref<1000000x64xf32, #tpu.memory_space<hbm>> -> memref<1000000x64xf32, #tpu.memory_space<hbm>>
    tpu.enqueue_indirect_dma source(%dma_start3A_385 : memref<1000000x64xf32, #tpu.memory_space<hbm>>) target(%dma_start3A_379 : memref<50x64xf32, #tpu.memory_space<vmem>>) offsets(%dma_start3A_382 : memref<50xi32, #tpu.memory_space<vmem>>) semaphore(%arg9 : memref<!tpu.dma_semaphore, #tpu.memory_space<semaphore_mem>>)
    %scan3A = arith.constant 0 : i32
    %scan3A_386 = arith.constant 0 : i32
    %scan3A_387 = arith.constant 16 : i32
    %scan3A_388 = arith.addi %scan3A_386, %scan3A_387 : i32
    %scan3A_389 = arith.constant 1 : i32
    scf.for %scan3A_402 = %scan3A_386 to %scan3A_388 step %scan3A_389  : i32 {
      %mul3A_403 = arith.constant 2 : i32
      %mul3A_404 = arith.muli %mul3A_403, %scan3A_402 : i32
      %dma_wait3A_405 = arith.constant 0 : i32
      %dma_wait3A_406 = arith.constant 0 : i32
      %dma_wait3A_407 = arith.constant 0 : i32
      %dma_wait3A_408 = tpu.memref_slice %arg4[%dma_wait3A_405, %dma_wait3A_406, %dma_wait3A_407] : memref<16384x56x128xf32, #tpu.memory_space<hbm>> -> memref<16x50x64xf32, #tpu.memory_space<hbm>>
      %dma_wait3A_409 = arith.constant 0 : i32
      %dma_wait3A_410 = arith.constant 0 : i32
      %dma_wait3A_411 = arith.constant 0 : i32
      %dma_wait3A_412 = tpu.memref_slice %arg4[%dma_wait3A_409, %dma_wait3A_410, %dma_wait3A_411] : memref<16384x56x128xf32, #tpu.memory_space<hbm>> -> memref<16x50x64xf32, #tpu.memory_space<hbm>>
      tpu.wait_dma2 semaphore(%arg8 : memref<!tpu.dma_semaphore, #tpu.memory_space<semaphore_mem>>) src(%dma_wait3A_412 : memref<16x50x64xf32, #tpu.memory_space<hbm>>) dst(%arg6 : memref<16x50x64xf32, #tpu.memory_space<vmem>>)
      %add3A_413 = arith.constant 0 : i32
      %add3A_414 = arith.addi %mul3A_404, %add3A_413 : i32
      %mul3A_415 = arith.constant 16 : i32
      %mul3A_416 = arith.muli %add3A_414, %mul3A_415 : i32
      %add3A_417 = arith.addi %mul3A_2, %mul3A_416 : i32
      %dma_start3A_418 = arith.constant 0 : i32
      %dma_start3A_419 = arith.constant 0 : i32
      %dma_start3A_420 = tpu.memref_slice %arg4[%add3A_417, %dma_start3A_418, %dma_start3A_419] : memref<16384x56x128xf32, #tpu.memory_space<hbm>> -> memref<16x50x64xf32, #tpu.memory_space<hbm>>
      %dma_start3A_421 = arith.constant 0 : i32
      %dma_start3A_422 = arith.constant 0 : i32
      %dma_start3A_423 = tpu.memref_slice %arg4[%add3A_417, %dma_start3A_421, %dma_start3A_422] : memref<16384x56x128xf32, #tpu.memory_space<hbm>> -> memref<16x50x64xf32, #tpu.memory_space<hbm>>
      tpu.enqueue_dma source(%arg6 : memref<16x50x64xf32, #tpu.memory_space<vmem>>) target(%dma_start3A_423 : memref<16x50x64xf32, #tpu.memory_space<hbm>>) target_semaphore(%arg10 : memref<!tpu.dma_semaphore, #tpu.memory_space<semaphore_mem>>)
      %add3A_424 = arith.constant 1 : i32
      %add3A_425 = arith.addi %scan3A_402, %add3A_424 : i32
      %lt3A = arith.constant 16 : i32
      %lt3A_426 = arith.cmpi slt, %add3A_425, %lt3A : i32
      %convert_element_type3A = arith.extui %lt3A_426 : i1 to i32
      %cond3A = arith.constant 0 : i32
      %cond3A_427 = arith.cmpi ne, %convert_element_type3A, %cond3A : i32
      scf.if %cond3A_427 {
        %dma_wait3A_454 = arith.constant 0 : i32
        %dma_wait3A_455 = arith.constant 0 : i32
        %dma_wait3A_456 = tpu.memref_slice %arg4[%mul3A_2, %dma_wait3A_454, %dma_wait3A_455] : memref<16384x56x128xf32, #tpu.memory_space<hbm>> -> memref<16x50x64xf32, #tpu.memory_space<hbm>>
        %dma_wait3A_457 = arith.constant 0 : i32
        %dma_wait3A_458 = arith.constant 0 : i32
        %dma_wait3A_459 = tpu.memref_slice %arg4[%mul3A_2, %dma_wait3A_457, %dma_wait3A_458] : memref<16384x56x128xf32, #tpu.memory_space<hbm>> -> memref<16x50x64xf32, #tpu.memory_space<hbm>>
        tpu.wait_dma2 semaphore(%arg10 : memref<!tpu.dma_semaphore, #tpu.memory_space<semaphore_mem>>) src(%arg6 : memref<16x50x64xf32, #tpu.memory_space<vmem>>) dst(%dma_wait3A_459 : memref<16x50x64xf32, #tpu.memory_space<hbm>>)
        %add3A_460 = arith.constant 0 : i32
        %add3A_461 = arith.addi %mul3A_404, %add3A_460 : i32
        %add3A_462 = arith.constant 2 : i32
        %add3A_463 = arith.addi %add3A_461, %add3A_462 : i32
        %mul3A_464 = arith.constant 16 : i32
        %mul3A_465 = arith.muli %add3A_463, %mul3A_464 : i32
        %add3A_466 = arith.constant 0 : i32
        %add3A_467 = arith.addi %mul3A_465, %add3A_466 : i32
        %dma_start3A_468 = arith.constant 0 : i32
        %dma_start3A_469 = arith.constant 0 : i32
        %dma_start3A_470 = arith.constant 0 : i32
        %dma_start3A_471 = tpu.memref_slice %arg6[%dma_start3A_468, %dma_start3A_469, %dma_start3A_470] : memref<16x50x64xf32, #tpu.memory_space<vmem>> -> memref<1x50x64xf32, #tpu.memory_space<vmem>>
        %dma_start3A_472 = tpu.memref_squeeze %dma_start3A_471 : memref<1x50x64xf32, #tpu.memory_space<vmem>> -> memref<50x64xf32, #tpu.memory_space<vmem>>
        %dma_start3A_473 = arith.constant 0 : i32
        %dma_start3A_474 = tpu.memref_slice %arg5[%add3A_467, %dma_start3A_473] : memref<512x50xi32, #tpu.memory_space<vmem>> -> memref<1x50xi32, #tpu.memory_space<vmem>>
        %dma_start3A_475 = tpu.memref_squeeze %dma_start3A_474 : memref<1x50xi32, #tpu.memory_space<vmem>> -> memref<50xi32, #tpu.memory_space<vmem>>
        %dma_start3A_476 = arith.constant 0 : i32
        %dma_start3A_477 = arith.constant 0 : i32
        %dma_start3A_478 = tpu.memref_slice %arg3[%dma_start3A_476, %dma_start3A_477] : memref<1000000x64xf32, #tpu.memory_space<hbm>> -> memref<1000000x64xf32, #tpu.memory_space<hbm>>
        tpu.enqueue_indirect_dma source(%dma_start3A_478 : memref<1000000x64xf32, #tpu.memory_space<hbm>>) target(%dma_start3A_472 : memref<50x64xf32, #tpu.memory_space<vmem>>) offsets(%dma_start3A_475 : memref<50xi32, #tpu.memory_space<vmem>>) semaphore(%arg8 : memref<!tpu.dma_semaphore, #tpu.memory_space<semaphore_mem>>)
        %mul3A_479 = arith.constant 16 : i32
        %mul3A_480 = arith.muli %add3A_463, %mul3A_479 : i32
        %add3A_481 = arith.constant 1 : i32
        %add3A_482 = arith.addi %mul3A_480, %add3A_481 : i32
        %dma_start3A_483 = arith.constant 1 : i32
        %dma_start3A_484 = arith.constant 0 : i32
        %dma_start3A_485 = arith.constant 0 : i32
        %dma_start3A_486 = tpu.memref_slice %arg6[%dma_start3A_483, %dma_start3A_484, %dma_start3A_485] : memref<16x50x64xf32, #tpu.memory_space<vmem>> -> memref<1x50x64xf32, #tpu.memory_space<vmem>>
        %dma_start3A_487 = tpu.memref_squeeze %dma_start3A_486 : memref<1x50x64xf32, #tpu.memory_space<vmem>> -> memref<50x64xf32, #tpu.memory_space<vmem>>
        %dma_start3A_488 = arith.constant 0 : i32
        %dma_start3A_489 = tpu.memref_slice %arg5[%add3A_482, %dma_start3A_488] : memref<512x50xi32, #tpu.memory_space<vmem>> -> memref<1x50xi32, #tpu.memory_space<vmem>>
        %dma_start3A_490 = tpu.memref_squeeze %dma_start3A_489 : memref<1x50xi32, #tpu.memory_space<vmem>> -> memref<50xi32, #tpu.memory_space<vmem>>
        %dma_start3A_491 = arith.constant 0 : i32
        %dma_start3A_492 = arith.constant 0 : i32
        %dma_start3A_493 = tpu.memref_slice %arg3[%dma_start3A_491, %dma_start3A_492] : memref<1000000x64xf32, #tpu.memory_space<hbm>> -> memref<1000000x64xf32, #tpu.memory_space<hbm>>
        tpu.enqueue_indirect_dma source(%dma_start3A_493 : memref<1000000x64xf32, #tpu.memory_space<hbm>>) target(%dma_start3A_487 : memref<50x64xf32, #tpu.memory_space<vmem>>) offsets(%dma_start3A_490 : memref<50xi32, #tpu.memory_space<vmem>>) semaphore(%arg8 : memref<!tpu.dma_semaphore, #tpu.memory_space<semaphore_mem>>)
        %mul3A_494 = arith.constant 16 : i32
        %mul3A_495 = arith.muli %add3A_463, %mul3A_494 : i32
        %add3A_496 = arith.constant 2 : i32
        %add3A_497 = arith.addi %mul3A_495, %add3A_496 : i32
        %dma_start3A_498 = arith.constant 2 : i32
        %dma_start3A_499 = arith.constant 0 : i32
        %dma_start3A_500 = arith.constant 0 : i32
        %dma_start3A_501 = tpu.memref_slice %arg6[%dma_start3A_498, %dma_start3A_499, %dma_start3A_500] : memref<16x50x64xf32, #tpu.memory_space<vmem>> -> memref<1x50x64xf32, #tpu.memory_space<vmem>>
        %dma_start3A_502 = tpu.memref_squeeze %dma_start3A_501 : memref<1x50x64xf32, #tpu.memory_space<vmem>> -> memref<50x64xf32, #tpu.memory_space<vmem>>
        %dma_start3A_503 = arith.constant 0 : i32
        %dma_start3A_504 = tpu.memref_slice %arg5[%add3A_497, %dma_start3A_503] : memref<512x50xi32, #tpu.memory_space<vmem>> -> memref<1x50xi32, #tpu.memory_space<vmem>>
        %dma_start3A_505 = tpu.memref_squeeze %dma_start3A_504 : memref<1x50xi32, #tpu.memory_space<vmem>> -> memref<50xi32, #tpu.memory_space<vmem>>
        %dma_start3A_506 = arith.constant 0 : i32
        %dma_start3A_507 = arith.constant 0 : i32
        %dma_start3A_508 = tpu.memref_slice %arg3[%dma_start3A_506, %dma_start3A_507] : memref<1000000x64xf32, #tpu.memory_space<hbm>> -> memref<1000000x64xf32, #tpu.memory_space<hbm>>
        tpu.enqueue_indirect_dma source(%dma_start3A_508 : memref<1000000x64xf32, #tpu.memory_space<hbm>>) target(%dma_start3A_502 : memref<50x64xf32, #tpu.memory_space<vmem>>) offsets(%dma_start3A_505 : memref<50xi32, #tpu.memory_space<vmem>>) semaphore(%arg8 : memref<!tpu.dma_semaphore, #tpu.memory_space<semaphore_mem>>)
        %mul3A_509 = arith.constant 16 : i32
        %mul3A_510 = arith.muli %add3A_463, %mul3A_509 : i32
        %add3A_511 = arith.constant 3 : i32
        %add3A_512 = arith.addi %mul3A_510, %add3A_511 : i32
        %dma_start3A_513 = arith.constant 3 : i32
        %dma_start3A_514 = arith.constant 0 : i32
        %dma_start3A_515 = arith.constant 0 : i32
        %dma_start3A_516 = tpu.memref_slice %arg6[%dma_start3A_513, %dma_start3A_514, %dma_start3A_515] : memref<16x50x64xf32, #tpu.memory_space<vmem>> -> memref<1x50x64xf32, #tpu.memory_space<vmem>>
        %dma_start3A_517 = tpu.memref_squeeze %dma_start3A_516 : memref<1x50x64xf32, #tpu.memory_space<vmem>> -> memref<50x64xf32, #tpu.memory_space<vmem>>
        %dma_start3A_518 = arith.constant 0 : i32
        %dma_start3A_519 = tpu.memref_slice %arg5[%add3A_512, %dma_start3A_518] : memref<512x50xi32, #tpu.memory_space<vmem>> -> memref<1x50xi32, #tpu.memory_space<vmem>>
        %dma_start3A_520 = tpu.memref_squeeze %dma_start3A_519 : memref<1x50xi32, #tpu.memory_space<vmem>> -> memref<50xi32, #tpu.memory_space<vmem>>
        %dma_start3A_521 = arith.constant 0 : i32
        %dma_start3A_522 = arith.constant 0 : i32
        %dma_start3A_523 = tpu.memref_slice %arg3[%dma_start3A_521, %dma_start3A_522] : memref<1000000x64xf32, #tpu.memory_space<hbm>> -> memref<1000000x64xf32, #tpu.memory_space<hbm>>
        tpu.enqueue_indirect_dma source(%dma_start3A_523 : memref<1000000x64xf32, #tpu.memory_space<hbm>>) target(%dma_start3A_517 : memref<50x64xf32, #tpu.memory_space<vmem>>) offsets(%dma_start3A_520 : memref<50xi32, #tpu.memory_space<vmem>>) semaphore(%arg8 : memref<!tpu.dma_semaphore, #tpu.memory_space<semaphore_mem>>)
        %mul3A_524 = arith.constant 16 : i32
        %mul3A_525 = arith.muli %add3A_463, %mul3A_524 : i32
        %add3A_526 = arith.constant 4 : i32
        %add3A_527 = arith.addi %mul3A_525, %add3A_526 : i32
        %dma_start3A_528 = arith.constant 4 : i32
        %dma_start3A_529 = arith.constant 0 : i32
        %dma_start3A_530 = arith.constant 0 : i32
        %dma_start3A_531 = tpu.memref_slice %arg6[%dma_start3A_528, %dma_start3A_529, %dma_start3A_530] : memref<16x50x64xf32, #tpu.memory_space<vmem>> -> memref<1x50x64xf32, #tpu.memory_space<vmem>>
        %dma_start3A_532 = tpu.memref_squeeze %dma_start3A_531 : memref<1x50x64xf32, #tpu.memory_space<vmem>> -> memref<50x64xf32, #tpu.memory_space<vmem>>
        %dma_start3A_533 = arith.constant 0 : i32
        %dma_start3A_534 = tpu.memref_slice %arg5[%add3A_527, %dma_start3A_533] : memref<512x50xi32, #tpu.memory_space<vmem>> -> memref<1x50xi32, #tpu.memory_space<vmem>>
        %dma_start3A_535 = tpu.memref_squeeze %dma_start3A_534 : memref<1x50xi32, #tpu.memory_space<vmem>> -> memref<50xi32, #tpu.memory_space<vmem>>
        %dma_start3A_536 = arith.constant 0 : i32
        %dma_start3A_537 = arith.constant 0 : i32
        %dma_start3A_538 = tpu.memref_slice %arg3[%dma_start3A_536, %dma_start3A_537] : memref<1000000x64xf32, #tpu.memory_space<hbm>> -> memref<1000000x64xf32, #tpu.memory_space<hbm>>
        tpu.enqueue_indirect_dma source(%dma_start3A_538 : memref<1000000x64xf32, #tpu.memory_space<hbm>>) target(%dma_start3A_532 : memref<50x64xf32, #tpu.memory_space<vmem>>) offsets(%dma_start3A_535 : memref<50xi32, #tpu.memory_space<vmem>>) semaphore(%arg8 : memref<!tpu.dma_semaphore, #tpu.memory_space<semaphore_mem>>)
        %mul3A_539 = arith.constant 16 : i32
        %mul3A_540 = arith.muli %add3A_463, %mul3A_539 : i32
        %add3A_541 = arith.constant 5 : i32
        %add3A_542 = arith.addi %mul3A_540, %add3A_541 : i32
        %dma_start3A_543 = arith.constant 5 : i32
        %dma_start3A_544 = arith.constant 0 : i32
        %dma_start3A_545 = arith.constant 0 : i32
        %dma_start3A_546 = tpu.memref_slice %arg6[%dma_start3A_543, %dma_start3A_544, %dma_start3A_545] : memref<16x50x64xf32, #tpu.memory_space<vmem>> -> memref<1x50x64xf32, #tpu.memory_space<vmem>>
        %dma_start3A_547 = tpu.memref_squeeze %dma_start3A_546 : memref<1x50x64xf32, #tpu.memory_space<vmem>> -> memref<50x64xf32, #tpu.memory_space<vmem>>
        %dma_start3A_548 = arith.constant 0 : i32
        %dma_start3A_549 = tpu.memref_slice %arg5[%add3A_542, %dma_start3A_548] : memref<512x50xi32, #tpu.memory_space<vmem>> -> memref<1x50xi32, #tpu.memory_space<vmem>>
        %dma_start3A_550 = tpu.memref_squeeze %dma_start3A_549 : memref<1x50xi32, #tpu.memory_space<vmem>> -> memref<50xi32, #tpu.memory_space<vmem>>
        %dma_start3A_551 = arith.constant 0 : i32
        %dma_start3A_552 = arith.constant 0 : i32
        %dma_start3A_553 = tpu.memref_slice %arg3[%dma_start3A_551, %dma_start3A_552] : memref<1000000x64xf32, #tpu.memory_space<hbm>> -> memref<1000000x64xf32, #tpu.memory_space<hbm>>
        tpu.enqueue_indirect_dma source(%dma_start3A_553 : memref<1000000x64xf32, #tpu.memory_space<hbm>>) target(%dma_start3A_547 : memref<50x64xf32, #tpu.memory_space<vmem>>) offsets(%dma_start3A_550 : memref<50xi32, #tpu.memory_space<vmem>>) semaphore(%arg8 : memref<!tpu.dma_semaphore, #tpu.memory_space<semaphore_mem>>)
        %mul3A_554 = arith.constant 16 : i32
        %mul3A_555 = arith.muli %add3A_463, %mul3A_554 : i32
        %add3A_556 = arith.constant 6 : i32
        %add3A_557 = arith.addi %mul3A_555, %add3A_556 : i32
        %dma_start3A_558 = arith.constant 6 : i32
        %dma_start3A_559 = arith.constant 0 : i32
        %dma_start3A_560 = arith.constant 0 : i32
        %dma_start3A_561 = tpu.memref_slice %arg6[%dma_start3A_558, %dma_start3A_559, %dma_start3A_560] : memref<16x50x64xf32, #tpu.memory_space<vmem>> -> memref<1x50x64xf32, #tpu.memory_space<vmem>>
        %dma_start3A_562 = tpu.memref_squeeze %dma_start3A_561 : memref<1x50x64xf32, #tpu.memory_space<vmem>> -> memref<50x64xf32, #tpu.memory_space<vmem>>
        %dma_start3A_563 = arith.constant 0 : i32
        %dma_start3A_564 = tpu.memref_slice %arg5[%add3A_557, %dma_start3A_563] : memref<512x50xi32, #tpu.memory_space<vmem>> -> memref<1x50xi32, #tpu.memory_space<vmem>>
        %dma_start3A_565 = tpu.memref_squeeze %dma_start3A_564 : memref<1x50xi32, #tpu.memory_space<vmem>> -> memref<50xi32, #tpu.memory_space<vmem>>
        %dma_start3A_566 = arith.constant 0 : i32
        %dma_start3A_567 = arith.constant 0 : i32
        %dma_start3A_568 = tpu.memref_slice %arg3[%dma_start3A_566, %dma_start3A_567] : memref<1000000x64xf32, #tpu.memory_space<hbm>> -> memref<1000000x64xf32, #tpu.memory_space<hbm>>
        tpu.enqueue_indirect_dma source(%dma_start3A_568 : memref<1000000x64xf32, #tpu.memory_space<hbm>>) target(%dma_start3A_562 : memref<50x64xf32, #tpu.memory_space<vmem>>) offsets(%dma_start3A_565 : memref<50xi32, #tpu.memory_space<vmem>>) semaphore(%arg8 : memref<!tpu.dma_semaphore, #tpu.memory_space<semaphore_mem>>)
        %mul3A_569 = arith.constant 16 : i32
        %mul3A_570 = arith.muli %add3A_463, %mul3A_569 : i32
        %add3A_571 = arith.constant 7 : i32
        %add3A_572 = arith.addi %mul3A_570, %add3A_571 : i32
        %dma_start3A_573 = arith.constant 7 : i32
        %dma_start3A_574 = arith.constant 0 : i32
        %dma_start3A_575 = arith.constant 0 : i32
        %dma_start3A_576 = tpu.memref_slice %arg6[%dma_start3A_573, %dma_start3A_574, %dma_start3A_575] : memref<16x50x64xf32, #tpu.memory_space<vmem>> -> memref<1x50x64xf32, #tpu.memory_space<vmem>>
        %dma_start3A_577 = tpu.memref_squeeze %dma_start3A_576 : memref<1x50x64xf32, #tpu.memory_space<vmem>> -> memref<50x64xf32, #tpu.memory_space<vmem>>
        %dma_start3A_578 = arith.constant 0 : i32
        %dma_start3A_579 = tpu.memref_slice %arg5[%add3A_572, %dma_start3A_578] : memref<512x50xi32, #tpu.memory_space<vmem>> -> memref<1x50xi32, #tpu.memory_space<vmem>>
        %dma_start3A_580 = tpu.memref_squeeze %dma_start3A_579 : memref<1x50xi32, #tpu.memory_space<vmem>> -> memref<50xi32, #tpu.memory_space<vmem>>
        %dma_start3A_581 = arith.constant 0 : i32
        %dma_start3A_582 = arith.constant 0 : i32
        %dma_start3A_583 = tpu.memref_slice %arg3[%dma_start3A_581, %dma_start3A_582] : memref<1000000x64xf32, #tpu.memory_space<hbm>> -> memref<1000000x64xf32, #tpu.memory_space<hbm>>
        tpu.enqueue_indirect_dma source(%dma_start3A_583 : memref<1000000x64xf32, #tpu.memory_space<hbm>>) target(%dma_start3A_577 : memref<50x64xf32, #tpu.memory_space<vmem>>) offsets(%dma_start3A_580 : memref<50xi32, #tpu.memory_space<vmem>>) semaphore(%arg8 : memref<!tpu.dma_semaphore, #tpu.memory_space<semaphore_mem>>)
        %mul3A_584 = arith.constant 16 : i32
        %mul3A_585 = arith.muli %add3A_463, %mul3A_584 : i32
        %add3A_586 = arith.constant 8 : i32
        %add3A_587 = arith.addi %mul3A_585, %add3A_586 : i32
        %dma_start3A_588 = arith.constant 8 : i32
        %dma_start3A_589 = arith.constant 0 : i32
        %dma_start3A_590 = arith.constant 0 : i32
        %dma_start3A_591 = tpu.memref_slice %arg6[%dma_start3A_588, %dma_start3A_589, %dma_start3A_590] : memref<16x50x64xf32, #tpu.memory_space<vmem>> -> memref<1x50x64xf32, #tpu.memory_space<vmem>>
        %dma_start3A_592 = tpu.memref_squeeze %dma_start3A_591 : memref<1x50x64xf32, #tpu.memory_space<vmem>> -> memref<50x64xf32, #tpu.memory_space<vmem>>
        %dma_start3A_593 = arith.constant 0 : i32
        %dma_start3A_594 = tpu.memref_slice %arg5[%add3A_587, %dma_start3A_593] : memref<512x50xi32, #tpu.memory_space<vmem>> -> memref<1x50xi32, #tpu.memory_space<vmem>>
        %dma_start3A_595 = tpu.memref_squeeze %dma_start3A_594 : memref<1x50xi32, #tpu.memory_space<vmem>> -> memref<50xi32, #tpu.memory_space<vmem>>
        %dma_start3A_596 = arith.constant 0 : i32
        %dma_start3A_597 = arith.constant 0 : i32
        %dma_start3A_598 = tpu.memref_slice %arg3[%dma_start3A_596, %dma_start3A_597] : memref<1000000x64xf32, #tpu.memory_space<hbm>> -> memref<1000000x64xf32, #tpu.memory_space<hbm>>
        tpu.enqueue_indirect_dma source(%dma_start3A_598 : memref<1000000x64xf32, #tpu.memory_space<hbm>>) target(%dma_start3A_592 : memref<50x64xf32, #tpu.memory_space<vmem>>) offsets(%dma_start3A_595 : memref<50xi32, #tpu.memory_space<vmem>>) semaphore(%arg8 : memref<!tpu.dma_semaphore, #tpu.memory_space<semaphore_mem>>)
        %mul3A_599 = arith.constant 16 : i32
        %mul3A_600 = arith.muli %add3A_463, %mul3A_599 : i32
        %add3A_601 = arith.constant 9 : i32
        %add3A_602 = arith.addi %mul3A_600, %add3A_601 : i32
        %dma_start3A_603 = arith.constant 9 : i32
        %dma_start3A_604 = arith.constant 0 : i32
        %dma_start3A_605 = arith.constant 0 : i32
        %dma_start3A_606 = tpu.memref_slice %arg6[%dma_start3A_603, %dma_start3A_604, %dma_start3A_605] : memref<16x50x64xf32, #tpu.memory_space<vmem>> -> memref<1x50x64xf32, #tpu.memory_space<vmem>>
        %dma_start3A_607 = tpu.memref_squeeze %dma_start3A_606 : memref<1x50x64xf32, #tpu.memory_space<vmem>> -> memref<50x64xf32, #tpu.memory_space<vmem>>
        %dma_start3A_608 = arith.constant 0 : i32
        %dma_start3A_609 = tpu.memref_slice %arg5[%add3A_602, %dma_start3A_608] : memref<512x50xi32, #tpu.memory_space<vmem>> -> memref<1x50xi32, #tpu.memory_space<vmem>>
        %dma_start3A_610 = tpu.memref_squeeze %dma_start3A_609 : memref<1x50xi32, #tpu.memory_space<vmem>> -> memref<50xi32, #tpu.memory_space<vmem>>
        %dma_start3A_611 = arith.constant 0 : i32
        %dma_start3A_612 = arith.constant 0 : i32
        %dma_start3A_613 = tpu.memref_slice %arg3[%dma_start3A_611, %dma_start3A_612] : memref<1000000x64xf32, #tpu.memory_space<hbm>> -> memref<1000000x64xf32, #tpu.memory_space<hbm>>
        tpu.enqueue_indirect_dma source(%dma_start3A_613 : memref<1000000x64xf32, #tpu.memory_space<hbm>>) target(%dma_start3A_607 : memref<50x64xf32, #tpu.memory_space<vmem>>) offsets(%dma_start3A_610 : memref<50xi32, #tpu.memory_space<vmem>>) semaphore(%arg8 : memref<!tpu.dma_semaphore, #tpu.memory_space<semaphore_mem>>)
        %mul3A_614 = arith.constant 16 : i32
        %mul3A_615 = arith.muli %add3A_463, %mul3A_614 : i32
        %add3A_616 = arith.constant 10 : i32
        %add3A_617 = arith.addi %mul3A_615, %add3A_616 : i32
        %dma_start3A_618 = arith.constant 10 : i32
        %dma_start3A_619 = arith.constant 0 : i32
        %dma_start3A_620 = arith.constant 0 : i32
        %dma_start3A_621 = tpu.memref_slice %arg6[%dma_start3A_618, %dma_start3A_619, %dma_start3A_620] : memref<16x50x64xf32, #tpu.memory_space<vmem>> -> memref<1x50x64xf32, #tpu.memory_space<vmem>>
        %dma_start3A_622 = tpu.memref_squeeze %dma_start3A_621 : memref<1x50x64xf32, #tpu.memory_space<vmem>> -> memref<50x64xf32, #tpu.memory_space<vmem>>
        %dma_start3A_623 = arith.constant 0 : i32
        %dma_start3A_624 = tpu.memref_slice %arg5[%add3A_617, %dma_start3A_623] : memref<512x50xi32, #tpu.memory_space<vmem>> -> memref<1x50xi32, #tpu.memory_space<vmem>>
        %dma_start3A_625 = tpu.memref_squeeze %dma_start3A_624 : memref<1x50xi32, #tpu.memory_space<vmem>> -> memref<50xi32, #tpu.memory_space<vmem>>
        %dma_start3A_626 = arith.constant 0 : i32
        %dma_start3A_627 = arith.constant 0 : i32
        %dma_start3A_628 = tpu.memref_slice %arg3[%dma_start3A_626, %dma_start3A_627] : memref<1000000x64xf32, #tpu.memory_space<hbm>> -> memref<1000000x64xf32, #tpu.memory_space<hbm>>
        tpu.enqueue_indirect_dma source(%dma_start3A_628 : memref<1000000x64xf32, #tpu.memory_space<hbm>>) target(%dma_start3A_622 : memref<50x64xf32, #tpu.memory_space<vmem>>) offsets(%dma_start3A_625 : memref<50xi32, #tpu.memory_space<vmem>>) semaphore(%arg8 : memref<!tpu.dma_semaphore, #tpu.memory_space<semaphore_mem>>)
        %mul3A_629 = arith.constant 16 : i32
        %mul3A_630 = arith.muli %add3A_463, %mul3A_629 : i32
        %add3A_631 = arith.constant 11 : i32
        %add3A_632 = arith.addi %mul3A_630, %add3A_631 : i32
        %dma_start3A_633 = arith.constant 11 : i32
        %dma_start3A_634 = arith.constant 0 : i32
        %dma_start3A_635 = arith.constant 0 : i32
        %dma_start3A_636 = tpu.memref_slice %arg6[%dma_start3A_633, %dma_start3A_634, %dma_start3A_635] : memref<16x50x64xf32, #tpu.memory_space<vmem>> -> memref<1x50x64xf32, #tpu.memory_space<vmem>>
        %dma_start3A_637 = tpu.memref_squeeze %dma_start3A_636 : memref<1x50x64xf32, #tpu.memory_space<vmem>> -> memref<50x64xf32, #tpu.memory_space<vmem>>
        %dma_start3A_638 = arith.constant 0 : i32
        %dma_start3A_639 = tpu.memref_slice %arg5[%add3A_632, %dma_start3A_638] : memref<512x50xi32, #tpu.memory_space<vmem>> -> memref<1x50xi32, #tpu.memory_space<vmem>>
        %dma_start3A_640 = tpu.memref_squeeze %dma_start3A_639 : memref<1x50xi32, #tpu.memory_space<vmem>> -> memref<50xi32, #tpu.memory_space<vmem>>
        %dma_start3A_641 = arith.constant 0 : i32
        %dma_start3A_642 = arith.constant 0 : i32
        %dma_start3A_643 = tpu.memref_slice %arg3[%dma_start3A_641, %dma_start3A_642] : memref<1000000x64xf32, #tpu.memory_space<hbm>> -> memref<1000000x64xf32, #tpu.memory_space<hbm>>
        tpu.enqueue_indirect_dma source(%dma_start3A_643 : memref<1000000x64xf32, #tpu.memory_space<hbm>>) target(%dma_start3A_637 : memref<50x64xf32, #tpu.memory_space<vmem>>) offsets(%dma_start3A_640 : memref<50xi32, #tpu.memory_space<vmem>>) semaphore(%arg8 : memref<!tpu.dma_semaphore, #tpu.memory_space<semaphore_mem>>)
        %mul3A_644 = arith.constant 16 : i32
        %mul3A_645 = arith.muli %add3A_463, %mul3A_644 : i32
        %add3A_646 = arith.constant 12 : i32
        %add3A_647 = arith.addi %mul3A_645, %add3A_646 : i32
        %dma_start3A_648 = arith.constant 12 : i32
        %dma_start3A_649 = arith.constant 0 : i32
        %dma_start3A_650 = arith.constant 0 : i32
        %dma_start3A_651 = tpu.memref_slice %arg6[%dma_start3A_648, %dma_start3A_649, %dma_start3A_650] : memref<16x50x64xf32, #tpu.memory_space<vmem>> -> memref<1x50x64xf32, #tpu.memory_space<vmem>>
        %dma_start3A_652 = tpu.memref_squeeze %dma_start3A_651 : memref<1x50x64xf32, #tpu.memory_space<vmem>> -> memref<50x64xf32, #tpu.memory_space<vmem>>
        %dma_start3A_653 = arith.constant 0 : i32
        %dma_start3A_654 = tpu.memref_slice %arg5[%add3A_647, %dma_start3A_653] : memref<512x50xi32, #tpu.memory_space<vmem>> -> memref<1x50xi32, #tpu.memory_space<vmem>>
        %dma_start3A_655 = tpu.memref_squeeze %dma_start3A_654 : memref<1x50xi32, #tpu.memory_space<vmem>> -> memref<50xi32, #tpu.memory_space<vmem>>
        %dma_start3A_656 = arith.constant 0 : i32
        %dma_start3A_657 = arith.constant 0 : i32
        %dma_start3A_658 = tpu.memref_slice %arg3[%dma_start3A_656, %dma_start3A_657] : memref<1000000x64xf32, #tpu.memory_space<hbm>> -> memref<1000000x64xf32, #tpu.memory_space<hbm>>
        tpu.enqueue_indirect_dma source(%dma_start3A_658 : memref<1000000x64xf32, #tpu.memory_space<hbm>>) target(%dma_start3A_652 : memref<50x64xf32, #tpu.memory_space<vmem>>) offsets(%dma_start3A_655 : memref<50xi32, #tpu.memory_space<vmem>>) semaphore(%arg8 : memref<!tpu.dma_semaphore, #tpu.memory_space<semaphore_mem>>)
        %mul3A_659 = arith.constant 16 : i32
        %mul3A_660 = arith.muli %add3A_463, %mul3A_659 : i32
        %add3A_661 = arith.constant 13 : i32
        %add3A_662 = arith.addi %mul3A_660, %add3A_661 : i32
        %dma_start3A_663 = arith.constant 13 : i32
        %dma_start3A_664 = arith.constant 0 : i32
        %dma_start3A_665 = arith.constant 0 : i32
        %dma_start3A_666 = tpu.memref_slice %arg6[%dma_start3A_663, %dma_start3A_664, %dma_start3A_665] : memref<16x50x64xf32, #tpu.memory_space<vmem>> -> memref<1x50x64xf32, #tpu.memory_space<vmem>>
        %dma_start3A_667 = tpu.memref_squeeze %dma_start3A_666 : memref<1x50x64xf32, #tpu.memory_space<vmem>> -> memref<50x64xf32, #tpu.memory_space<vmem>>
        %dma_start3A_668 = arith.constant 0 : i32
        %dma_start3A_669 = tpu.memref_slice %arg5[%add3A_662, %dma_start3A_668] : memref<512x50xi32, #tpu.memory_space<vmem>> -> memref<1x50xi32, #tpu.memory_space<vmem>>
        %dma_start3A_670 = tpu.memref_squeeze %dma_start3A_669 : memref<1x50xi32, #tpu.memory_space<vmem>> -> memref<50xi32, #tpu.memory_space<vmem>>
        %dma_start3A_671 = arith.constant 0 : i32
        %dma_start3A_672 = arith.constant 0 : i32
        %dma_start3A_673 = tpu.memref_slice %arg3[%dma_start3A_671, %dma_start3A_672] : memref<1000000x64xf32, #tpu.memory_space<hbm>> -> memref<1000000x64xf32, #tpu.memory_space<hbm>>
        tpu.enqueue_indirect_dma source(%dma_start3A_673 : memref<1000000x64xf32, #tpu.memory_space<hbm>>) target(%dma_start3A_667 : memref<50x64xf32, #tpu.memory_space<vmem>>) offsets(%dma_start3A_670 : memref<50xi32, #tpu.memory_space<vmem>>) semaphore(%arg8 : memref<!tpu.dma_semaphore, #tpu.memory_space<semaphore_mem>>)
        %mul3A_674 = arith.constant 16 : i32
        %mul3A_675 = arith.muli %add3A_463, %mul3A_674 : i32
        %add3A_676 = arith.constant 14 : i32
        %add3A_677 = arith.addi %mul3A_675, %add3A_676 : i32
        %dma_start3A_678 = arith.constant 14 : i32
        %dma_start3A_679 = arith.constant 0 : i32
        %dma_start3A_680 = arith.constant 0 : i32
        %dma_start3A_681 = tpu.memref_slice %arg6[%dma_start3A_678, %dma_start3A_679, %dma_start3A_680] : memref<16x50x64xf32, #tpu.memory_space<vmem>> -> memref<1x50x64xf32, #tpu.memory_space<vmem>>
        %dma_start3A_682 = tpu.memref_squeeze %dma_start3A_681 : memref<1x50x64xf32, #tpu.memory_space<vmem>> -> memref<50x64xf32, #tpu.memory_space<vmem>>
        %dma_start3A_683 = arith.constant 0 : i32
        %dma_start3A_684 = tpu.memref_slice %arg5[%add3A_677, %dma_start3A_683] : memref<512x50xi32, #tpu.memory_space<vmem>> -> memref<1x50xi32, #tpu.memory_space<vmem>>
        %dma_start3A_685 = tpu.memref_squeeze %dma_start3A_684 : memref<1x50xi32, #tpu.memory_space<vmem>> -> memref<50xi32, #tpu.memory_space<vmem>>
        %dma_start3A_686 = arith.constant 0 : i32
        %dma_start3A_687 = arith.constant 0 : i32
        %dma_start3A_688 = tpu.memref_slice %arg3[%dma_start3A_686, %dma_start3A_687] : memref<1000000x64xf32, #tpu.memory_space<hbm>> -> memref<1000000x64xf32, #tpu.memory_space<hbm>>
        tpu.enqueue_indirect_dma source(%dma_start3A_688 : memref<1000000x64xf32, #tpu.memory_space<hbm>>) target(%dma_start3A_682 : memref<50x64xf32, #tpu.memory_space<vmem>>) offsets(%dma_start3A_685 : memref<50xi32, #tpu.memory_space<vmem>>) semaphore(%arg8 : memref<!tpu.dma_semaphore, #tpu.memory_space<semaphore_mem>>)
        %mul3A_689 = arith.constant 16 : i32
        %mul3A_690 = arith.muli %add3A_463, %mul3A_689 : i32
        %add3A_691 = arith.constant 15 : i32
        %add3A_692 = arith.addi %mul3A_690, %add3A_691 : i32
        %dma_start3A_693 = arith.constant 15 : i32
        %dma_start3A_694 = arith.constant 0 : i32
        %dma_start3A_695 = arith.constant 0 : i32
        %dma_start3A_696 = tpu.memref_slice %arg6[%dma_start3A_693, %dma_start3A_694, %dma_start3A_695] : memref<16x50x64xf32, #tpu.memory_space<vmem>> -> memref<1x50x64xf32, #tpu.memory_space<vmem>>
        %dma_start3A_697 = tpu.memref_squeeze %dma_start3A_696 : memref<1x50x64xf32, #tpu.memory_space<vmem>> -> memref<50x64xf32, #tpu.memory_space<vmem>>
        %dma_start3A_698 = arith.constant 0 : i32
        %dma_start3A_699 = tpu.memref_slice %arg5[%add3A_692, %dma_start3A_698] : memref<512x50xi32, #tpu.memory_space<vmem>> -> memref<1x50xi32, #tpu.memory_space<vmem>>
        %dma_start3A_700 = tpu.memref_squeeze %dma_start3A_699 : memref<1x50xi32, #tpu.memory_space<vmem>> -> memref<50xi32, #tpu.memory_space<vmem>>
        %dma_start3A_701 = arith.constant 0 : i32
        %dma_start3A_702 = arith.constant 0 : i32
        %dma_start3A_703 = tpu.memref_slice %arg3[%dma_start3A_701, %dma_start3A_702] : memref<1000000x64xf32, #tpu.memory_space<hbm>> -> memref<1000000x64xf32, #tpu.memory_space<hbm>>
        tpu.enqueue_indirect_dma source(%dma_start3A_703 : memref<1000000x64xf32, #tpu.memory_space<hbm>>) target(%dma_start3A_697 : memref<50x64xf32, #tpu.memory_space<vmem>>) offsets(%dma_start3A_700 : memref<50xi32, #tpu.memory_space<vmem>>) semaphore(%arg8 : memref<!tpu.dma_semaphore, #tpu.memory_space<semaphore_mem>>)
      } else {
      }
      %dma_wait3A_428 = arith.constant 0 : i32
      %dma_wait3A_429 = arith.constant 0 : i32
      %dma_wait3A_430 = arith.constant 0 : i32
      %dma_wait3A_431 = tpu.memref_slice %arg4[%dma_wait3A_428, %dma_wait3A_429, %dma_wait3A_430] : memref<16384x56x128xf32, #tpu.memory_space<hbm>> -> memref<16x50x64xf32, #tpu.memory_space<hbm>>
      %dma_wait3A_432 = arith.constant 0 : i32
      %dma_wait3A_433 = arith.constant 0 : i32
      %dma_wait3A_434 = arith.constant 0 : i32
      %dma_wait3A_435 = tpu.memref_slice %arg4[%dma_wait3A_432, %dma_wait3A_433, %dma_wait3A_434] : memref<16384x56x128xf32, #tpu.memory_space<hbm>> -> memref<16x50x64xf32, #tpu.memory_space<hbm>>
      tpu.wait_dma2 semaphore(%arg9 : memref<!tpu.dma_semaphore, #tpu.memory_space<semaphore_mem>>) src(%dma_wait3A_435 : memref<16x50x64xf32, #tpu.memory_space<hbm>>) dst(%arg7 : memref<16x50x64xf32, #tpu.memory_space<vmem>>)
      %add3A_436 = arith.constant 1 : i32
      %add3A_437 = arith.addi %mul3A_404, %add3A_436 : i32
      %mul3A_438 = arith.constant 16 : i32
      %mul3A_439 = arith.muli %add3A_437, %mul3A_438 : i32
      %add3A_440 = arith.addi %mul3A_2, %mul3A_439 : i32
      %dma_start3A_441 = arith.constant 0 : i32
      %dma_start3A_442 = arith.constant 0 : i32
      %dma_start3A_443 = tpu.memref_slice %arg4[%add3A_440, %dma_start3A_441, %dma_start3A_442] : memref<16384x56x128xf32, #tpu.memory_space<hbm>> -> memref<16x50x64xf32, #tpu.memory_space<hbm>>
      %dma_start3A_444 = arith.constant 0 : i32
      %dma_start3A_445 = arith.constant 0 : i32
      %dma_start3A_446 = tpu.memref_slice %arg4[%add3A_440, %dma_start3A_444, %dma_start3A_445] : memref<16384x56x128xf32, #tpu.memory_space<hbm>> -> memref<16x50x64xf32, #tpu.memory_space<hbm>>
      tpu.enqueue_dma source(%arg7 : memref<16x50x64xf32, #tpu.memory_space<vmem>>) target(%dma_start3A_446 : memref<16x50x64xf32, #tpu.memory_space<hbm>>) target_semaphore(%arg11 : memref<!tpu.dma_semaphore, #tpu.memory_space<semaphore_mem>>)
      %add3A_447 = arith.constant 1 : i32
      %add3A_448 = arith.addi %scan3A_402, %add3A_447 : i32
      %lt3A_449 = arith.constant 16 : i32
      %lt3A_450 = arith.cmpi slt, %add3A_448, %lt3A_449 : i32
      %convert_element_type3A_451 = arith.extui %lt3A_450 : i1 to i32
      %cond3A_452 = arith.constant 0 : i32
      %cond3A_453 = arith.cmpi ne, %convert_element_type3A_451, %cond3A_452 : i32
      scf.if %cond3A_453 {
        %dma_wait3A_454 = arith.constant 0 : i32
        %dma_wait3A_455 = arith.constant 0 : i32
        %dma_wait3A_456 = tpu.memref_slice %arg4[%mul3A_2, %dma_wait3A_454, %dma_wait3A_455] : memref<16384x56x128xf32, #tpu.memory_space<hbm>> -> memref<16x50x64xf32, #tpu.memory_space<hbm>>
        %dma_wait3A_457 = arith.constant 0 : i32
        %dma_wait3A_458 = arith.constant 0 : i32
        %dma_wait3A_459 = tpu.memref_slice %arg4[%mul3A_2, %dma_wait3A_457, %dma_wait3A_458] : memref<16384x56x128xf32, #tpu.memory_space<hbm>> -> memref<16x50x64xf32, #tpu.memory_space<hbm>>
        tpu.wait_dma2 semaphore(%arg11 : memref<!tpu.dma_semaphore, #tpu.memory_space<semaphore_mem>>) src(%arg7 : memref<16x50x64xf32, #tpu.memory_space<vmem>>) dst(%dma_wait3A_459 : memref<16x50x64xf32, #tpu.memory_space<hbm>>)
        %add3A_460 = arith.constant 1 : i32
        %add3A_461 = arith.addi %mul3A_404, %add3A_460 : i32
        %add3A_462 = arith.constant 2 : i32
        %add3A_463 = arith.addi %add3A_461, %add3A_462 : i32
        %mul3A_464 = arith.constant 16 : i32
        %mul3A_465 = arith.muli %add3A_463, %mul3A_464 : i32
        %add3A_466 = arith.constant 0 : i32
        %add3A_467 = arith.addi %mul3A_465, %add3A_466 : i32
        %dma_start3A_468 = arith.constant 0 : i32
        %dma_start3A_469 = arith.constant 0 : i32
        %dma_start3A_470 = arith.constant 0 : i32
        %dma_start3A_471 = tpu.memref_slice %arg7[%dma_start3A_468, %dma_start3A_469, %dma_start3A_470] : memref<16x50x64xf32, #tpu.memory_space<vmem>> -> memref<1x50x64xf32, #tpu.memory_space<vmem>>
        %dma_start3A_472 = tpu.memref_squeeze %dma_start3A_471 : memref<1x50x64xf32, #tpu.memory_space<vmem>> -> memref<50x64xf32, #tpu.memory_space<vmem>>
        %dma_start3A_473 = arith.constant 0 : i32
        %dma_start3A_474 = tpu.memref_slice %arg5[%add3A_467, %dma_start3A_473] : memref<512x50xi32, #tpu.memory_space<vmem>> -> memref<1x50xi32, #tpu.memory_space<vmem>>
        %dma_start3A_475 = tpu.memref_squeeze %dma_start3A_474 : memref<1x50xi32, #tpu.memory_space<vmem>> -> memref<50xi32, #tpu.memory_space<vmem>>
        %dma_start3A_476 = arith.constant 0 : i32
        %dma_start3A_477 = arith.constant 0 : i32
        %dma_start3A_478 = tpu.memref_slice %arg3[%dma_start3A_476, %dma_start3A_477] : memref<1000000x64xf32, #tpu.memory_space<hbm>> -> memref<1000000x64xf32, #tpu.memory_space<hbm>>
        tpu.enqueue_indirect_dma source(%dma_start3A_478 : memref<1000000x64xf32, #tpu.memory_space<hbm>>) target(%dma_start3A_472 : memref<50x64xf32, #tpu.memory_space<vmem>>) offsets(%dma_start3A_475 : memref<50xi32, #tpu.memory_space<vmem>>) semaphore(%arg9 : memref<!tpu.dma_semaphore, #tpu.memory_space<semaphore_mem>>)
        %mul3A_479 = arith.constant 16 : i32
        %mul3A_480 = arith.muli %add3A_463, %mul3A_479 : i32
        %add3A_481 = arith.constant 1 : i32
        %add3A_482 = arith.addi %mul3A_480, %add3A_481 : i32
        %dma_start3A_483 = arith.constant 1 : i32
        %dma_start3A_484 = arith.constant 0 : i32
        %dma_start3A_485 = arith.constant 0 : i32
        %dma_start3A_486 = tpu.memref_slice %arg7[%dma_start3A_483, %dma_start3A_484, %dma_start3A_485] : memref<16x50x64xf32, #tpu.memory_space<vmem>> -> memref<1x50x64xf32, #tpu.memory_space<vmem>>
        %dma_start3A_487 = tpu.memref_squeeze %dma_start3A_486 : memref<1x50x64xf32, #tpu.memory_space<vmem>> -> memref<50x64xf32, #tpu.memory_space<vmem>>
        %dma_start3A_488 = arith.constant 0 : i32
        %dma_start3A_489 = tpu.memref_slice %arg5[%add3A_482, %dma_start3A_488] : memref<512x50xi32, #tpu.memory_space<vmem>> -> memref<1x50xi32, #tpu.memory_space<vmem>>
        %dma_start3A_490 = tpu.memref_squeeze %dma_start3A_489 : memref<1x50xi32, #tpu.memory_space<vmem>> -> memref<50xi32, #tpu.memory_space<vmem>>
        %dma_start3A_491 = arith.constant 0 : i32
        %dma_start3A_492 = arith.constant 0 : i32
        %dma_start3A_493 = tpu.memref_slice %arg3[%dma_start3A_491, %dma_start3A_492] : memref<1000000x64xf32, #tpu.memory_space<hbm>> -> memref<1000000x64xf32, #tpu.memory_space<hbm>>
        tpu.enqueue_indirect_dma source(%dma_start3A_493 : memref<1000000x64xf32, #tpu.memory_space<hbm>>) target(%dma_start3A_487 : memref<50x64xf32, #tpu.memory_space<vmem>>) offsets(%dma_start3A_490 : memref<50xi32, #tpu.memory_space<vmem>>) semaphore(%arg9 : memref<!tpu.dma_semaphore, #tpu.memory_space<semaphore_mem>>)
        %mul3A_494 = arith.constant 16 : i32
        %mul3A_495 = arith.muli %add3A_463, %mul3A_494 : i32
        %add3A_496 = arith.constant 2 : i32
        %add3A_497 = arith.addi %mul3A_495, %add3A_496 : i32
        %dma_start3A_498 = arith.constant 2 : i32
        %dma_start3A_499 = arith.constant 0 : i32
        %dma_start3A_500 = arith.constant 0 : i32
        %dma_start3A_501 = tpu.memref_slice %arg7[%dma_start3A_498, %dma_start3A_499, %dma_start3A_500] : memref<16x50x64xf32, #tpu.memory_space<vmem>> -> memref<1x50x64xf32, #tpu.memory_space<vmem>>
        %dma_start3A_502 = tpu.memref_squeeze %dma_start3A_501 : memref<1x50x64xf32, #tpu.memory_space<vmem>> -> memref<50x64xf32, #tpu.memory_space<vmem>>
        %dma_start3A_503 = arith.constant 0 : i32
        %dma_start3A_504 = tpu.memref_slice %arg5[%add3A_497, %dma_start3A_503] : memref<512x50xi32, #tpu.memory_space<vmem>> -> memref<1x50xi32, #tpu.memory_space<vmem>>
        %dma_start3A_505 = tpu.memref_squeeze %dma_start3A_504 : memref<1x50xi32, #tpu.memory_space<vmem>> -> memref<50xi32, #tpu.memory_space<vmem>>
        %dma_start3A_506 = arith.constant 0 : i32
        %dma_start3A_507 = arith.constant 0 : i32
        %dma_start3A_508 = tpu.memref_slice %arg3[%dma_start3A_506, %dma_start3A_507] : memref<1000000x64xf32, #tpu.memory_space<hbm>> -> memref<1000000x64xf32, #tpu.memory_space<hbm>>
        tpu.enqueue_indirect_dma source(%dma_start3A_508 : memref<1000000x64xf32, #tpu.memory_space<hbm>>) target(%dma_start3A_502 : memref<50x64xf32, #tpu.memory_space<vmem>>) offsets(%dma_start3A_505 : memref<50xi32, #tpu.memory_space<vmem>>) semaphore(%arg9 : memref<!tpu.dma_semaphore, #tpu.memory_space<semaphore_mem>>)
        %mul3A_509 = arith.constant 16 : i32
        %mul3A_510 = arith.muli %add3A_463, %mul3A_509 : i32
        %add3A_511 = arith.constant 3 : i32
        %add3A_512 = arith.addi %mul3A_510, %add3A_511 : i32
        %dma_start3A_513 = arith.constant 3 : i32
        %dma_start3A_514 = arith.constant 0 : i32
        %dma_start3A_515 = arith.constant 0 : i32
        %dma_start3A_516 = tpu.memref_slice %arg7[%dma_start3A_513, %dma_start3A_514, %dma_start3A_515] : memref<16x50x64xf32, #tpu.memory_space<vmem>> -> memref<1x50x64xf32, #tpu.memory_space<vmem>>
        %dma_start3A_517 = tpu.memref_squeeze %dma_start3A_516 : memref<1x50x64xf32, #tpu.memory_space<vmem>> -> memref<50x64xf32, #tpu.memory_space<vmem>>
        %dma_start3A_518 = arith.constant 0 : i32
        %dma_start3A_519 = tpu.memref_slice %arg5[%add3A_512, %dma_start3A_518] : memref<512x50xi32, #tpu.memory_space<vmem>> -> memref<1x50xi32, #tpu.memory_space<vmem>>
        %dma_start3A_520 = tpu.memref_squeeze %dma_start3A_519 : memref<1x50xi32, #tpu.memory_space<vmem>> -> memref<50xi32, #tpu.memory_space<vmem>>
        %dma_start3A_521 = arith.constant 0 : i32
        %dma_start3A_522 = arith.constant 0 : i32
        %dma_start3A_523 = tpu.memref_slice %arg3[%dma_start3A_521, %dma_start3A_522] : memref<1000000x64xf32, #tpu.memory_space<hbm>> -> memref<1000000x64xf32, #tpu.memory_space<hbm>>
        tpu.enqueue_indirect_dma source(%dma_start3A_523 : memref<1000000x64xf32, #tpu.memory_space<hbm>>) target(%dma_start3A_517 : memref<50x64xf32, #tpu.memory_space<vmem>>) offsets(%dma_start3A_520 : memref<50xi32, #tpu.memory_space<vmem>>) semaphore(%arg9 : memref<!tpu.dma_semaphore, #tpu.memory_space<semaphore_mem>>)
        %mul3A_524 = arith.constant 16 : i32
        %mul3A_525 = arith.muli %add3A_463, %mul3A_524 : i32
        %add3A_526 = arith.constant 4 : i32
        %add3A_527 = arith.addi %mul3A_525, %add3A_526 : i32
        %dma_start3A_528 = arith.constant 4 : i32
        %dma_start3A_529 = arith.constant 0 : i32
        %dma_start3A_530 = arith.constant 0 : i32
        %dma_start3A_531 = tpu.memref_slice %arg7[%dma_start3A_528, %dma_start3A_529, %dma_start3A_530] : memref<16x50x64xf32, #tpu.memory_space<vmem>> -> memref<1x50x64xf32, #tpu.memory_space<vmem>>
        %dma_start3A_532 = tpu.memref_squeeze %dma_start3A_531 : memref<1x50x64xf32, #tpu.memory_space<vmem>> -> memref<50x64xf32, #tpu.memory_space<vmem>>
        %dma_start3A_533 = arith.constant 0 : i32
        %dma_start3A_534 = tpu.memref_slice %arg5[%add3A_527, %dma_start3A_533] : memref<512x50xi32, #tpu.memory_space<vmem>> -> memref<1x50xi32, #tpu.memory_space<vmem>>
        %dma_start3A_535 = tpu.memref_squeeze %dma_start3A_534 : memref<1x50xi32, #tpu.memory_space<vmem>> -> memref<50xi32, #tpu.memory_space<vmem>>
        %dma_start3A_536 = arith.constant 0 : i32
        %dma_start3A_537 = arith.constant 0 : i32
        %dma_start3A_538 = tpu.memref_slice %arg3[%dma_start3A_536, %dma_start3A_537] : memref<1000000x64xf32, #tpu.memory_space<hbm>> -> memref<1000000x64xf32, #tpu.memory_space<hbm>>
        tpu.enqueue_indirect_dma source(%dma_start3A_538 : memref<1000000x64xf32, #tpu.memory_space<hbm>>) target(%dma_start3A_532 : memref<50x64xf32, #tpu.memory_space<vmem>>) offsets(%dma_start3A_535 : memref<50xi32, #tpu.memory_space<vmem>>) semaphore(%arg9 : memref<!tpu.dma_semaphore, #tpu.memory_space<semaphore_mem>>)
        %mul3A_539 = arith.constant 16 : i32
        %mul3A_540 = arith.muli %add3A_463, %mul3A_539 : i32
        %add3A_541 = arith.constant 5 : i32
        %add3A_542 = arith.addi %mul3A_540, %add3A_541 : i32
        %dma_start3A_543 = arith.constant 5 : i32
        %dma_start3A_544 = arith.constant 0 : i32
        %dma_start3A_545 = arith.constant 0 : i32
        %dma_start3A_546 = tpu.memref_slice %arg7[%dma_start3A_543, %dma_start3A_544, %dma_start3A_545] : memref<16x50x64xf32, #tpu.memory_space<vmem>> -> memref<1x50x64xf32, #tpu.memory_space<vmem>>
        %dma_start3A_547 = tpu.memref_squeeze %dma_start3A_546 : memref<1x50x64xf32, #tpu.memory_space<vmem>> -> memref<50x64xf32, #tpu.memory_space<vmem>>
        %dma_start3A_548 = arith.constant 0 : i32
        %dma_start3A_549 = tpu.memref_slice %arg5[%add3A_542, %dma_start3A_548] : memref<512x50xi32, #tpu.memory_space<vmem>> -> memref<1x50xi32, #tpu.memory_space<vmem>>
        %dma_start3A_550 = tpu.memref_squeeze %dma_start3A_549 : memref<1x50xi32, #tpu.memory_space<vmem>> -> memref<50xi32, #tpu.memory_space<vmem>>
        %dma_start3A_551 = arith.constant 0 : i32
        %dma_start3A_552 = arith.constant 0 : i32
        %dma_start3A_553 = tpu.memref_slice %arg3[%dma_start3A_551, %dma_start3A_552] : memref<1000000x64xf32, #tpu.memory_space<hbm>> -> memref<1000000x64xf32, #tpu.memory_space<hbm>>
        tpu.enqueue_indirect_dma source(%dma_start3A_553 : memref<1000000x64xf32, #tpu.memory_space<hbm>>) target(%dma_start3A_547 : memref<50x64xf32, #tpu.memory_space<vmem>>) offsets(%dma_start3A_550 : memref<50xi32, #tpu.memory_space<vmem>>) semaphore(%arg9 : memref<!tpu.dma_semaphore, #tpu.memory_space<semaphore_mem>>)
        %mul3A_554 = arith.constant 16 : i32
        %mul3A_555 = arith.muli %add3A_463, %mul3A_554 : i32
        %add3A_556 = arith.constant 6 : i32
        %add3A_557 = arith.addi %mul3A_555, %add3A_556 : i32
        %dma_start3A_558 = arith.constant 6 : i32
        %dma_start3A_559 = arith.constant 0 : i32
        %dma_start3A_560 = arith.constant 0 : i32
        %dma_start3A_561 = tpu.memref_slice %arg7[%dma_start3A_558, %dma_start3A_559, %dma_start3A_560] : memref<16x50x64xf32, #tpu.memory_space<vmem>> -> memref<1x50x64xf32, #tpu.memory_space<vmem>>
        %dma_start3A_562 = tpu.memref_squeeze %dma_start3A_561 : memref<1x50x64xf32, #tpu.memory_space<vmem>> -> memref<50x64xf32, #tpu.memory_space<vmem>>
        %dma_start3A_563 = arith.constant 0 : i32
        %dma_start3A_564 = tpu.memref_slice %arg5[%add3A_557, %dma_start3A_563] : memref<512x50xi32, #tpu.memory_space<vmem>> -> memref<1x50xi32, #tpu.memory_space<vmem>>
        %dma_start3A_565 = tpu.memref_squeeze %dma_start3A_564 : memref<1x50xi32, #tpu.memory_space<vmem>> -> memref<50xi32, #tpu.memory_space<vmem>>
        %dma_start3A_566 = arith.constant 0 : i32
        %dma_start3A_567 = arith.constant 0 : i32
        %dma_start3A_568 = tpu.memref_slice %arg3[%dma_start3A_566, %dma_start3A_567] : memref<1000000x64xf32, #tpu.memory_space<hbm>> -> memref<1000000x64xf32, #tpu.memory_space<hbm>>
        tpu.enqueue_indirect_dma source(%dma_start3A_568 : memref<1000000x64xf32, #tpu.memory_space<hbm>>) target(%dma_start3A_562 : memref<50x64xf32, #tpu.memory_space<vmem>>) offsets(%dma_start3A_565 : memref<50xi32, #tpu.memory_space<vmem>>) semaphore(%arg9 : memref<!tpu.dma_semaphore, #tpu.memory_space<semaphore_mem>>)
        %mul3A_569 = arith.constant 16 : i32
        %mul3A_570 = arith.muli %add3A_463, %mul3A_569 : i32
        %add3A_571 = arith.constant 7 : i32
        %add3A_572 = arith.addi %mul3A_570, %add3A_571 : i32
        %dma_start3A_573 = arith.constant 7 : i32
        %dma_start3A_574 = arith.constant 0 : i32
        %dma_start3A_575 = arith.constant 0 : i32
        %dma_start3A_576 = tpu.memref_slice %arg7[%dma_start3A_573, %dma_start3A_574, %dma_start3A_575] : memref<16x50x64xf32, #tpu.memory_space<vmem>> -> memref<1x50x64xf32, #tpu.memory_space<vmem>>
        %dma_start3A_577 = tpu.memref_squeeze %dma_start3A_576 : memref<1x50x64xf32, #tpu.memory_space<vmem>> -> memref<50x64xf32, #tpu.memory_space<vmem>>
        %dma_start3A_578 = arith.constant 0 : i32
        %dma_start3A_579 = tpu.memref_slice %arg5[%add3A_572, %dma_start3A_578] : memref<512x50xi32, #tpu.memory_space<vmem>> -> memref<1x50xi32, #tpu.memory_space<vmem>>
        %dma_start3A_580 = tpu.memref_squeeze %dma_start3A_579 : memref<1x50xi32, #tpu.memory_space<vmem>> -> memref<50xi32, #tpu.memory_space<vmem>>
        %dma_start3A_581 = arith.constant 0 : i32
        %dma_start3A_582 = arith.constant 0 : i32
        %dma_start3A_583 = tpu.memref_slice %arg3[%dma_start3A_581, %dma_start3A_582] : memref<1000000x64xf32, #tpu.memory_space<hbm>> -> memref<1000000x64xf32, #tpu.memory_space<hbm>>
        tpu.enqueue_indirect_dma source(%dma_start3A_583 : memref<1000000x64xf32, #tpu.memory_space<hbm>>) target(%dma_start3A_577 : memref<50x64xf32, #tpu.memory_space<vmem>>) offsets(%dma_start3A_580 : memref<50xi32, #tpu.memory_space<vmem>>) semaphore(%arg9 : memref<!tpu.dma_semaphore, #tpu.memory_space<semaphore_mem>>)
        %mul3A_584 = arith.constant 16 : i32
        %mul3A_585 = arith.muli %add3A_463, %mul3A_584 : i32
        %add3A_586 = arith.constant 8 : i32
        %add3A_587 = arith.addi %mul3A_585, %add3A_586 : i32
        %dma_start3A_588 = arith.constant 8 : i32
        %dma_start3A_589 = arith.constant 0 : i32
        %dma_start3A_590 = arith.constant 0 : i32
        %dma_start3A_591 = tpu.memref_slice %arg7[%dma_start3A_588, %dma_start3A_589, %dma_start3A_590] : memref<16x50x64xf32, #tpu.memory_space<vmem>> -> memref<1x50x64xf32, #tpu.memory_space<vmem>>
        %dma_start3A_592 = tpu.memref_squeeze %dma_start3A_591 : memref<1x50x64xf32, #tpu.memory_space<vmem>> -> memref<50x64xf32, #tpu.memory_space<vmem>>
        %dma_start3A_593 = arith.constant 0 : i32
        %dma_start3A_594 = tpu.memref_slice %arg5[%add3A_587, %dma_start3A_593] : memref<512x50xi32, #tpu.memory_space<vmem>> -> memref<1x50xi32, #tpu.memory_space<vmem>>
        %dma_start3A_595 = tpu.memref_squeeze %dma_start3A_594 : memref<1x50xi32, #tpu.memory_space<vmem>> -> memref<50xi32, #tpu.memory_space<vmem>>
        %dma_start3A_596 = arith.constant 0 : i32
        %dma_start3A_597 = arith.constant 0 : i32
        %dma_start3A_598 = tpu.memref_slice %arg3[%dma_start3A_596, %dma_start3A_597] : memref<1000000x64xf32, #tpu.memory_space<hbm>> -> memref<1000000x64xf32, #tpu.memory_space<hbm>>
        tpu.enqueue_indirect_dma source(%dma_start3A_598 : memref<1000000x64xf32, #tpu.memory_space<hbm>>) target(%dma_start3A_592 : memref<50x64xf32, #tpu.memory_space<vmem>>) offsets(%dma_start3A_595 : memref<50xi32, #tpu.memory_space<vmem>>) semaphore(%arg9 : memref<!tpu.dma_semaphore, #tpu.memory_space<semaphore_mem>>)
        %mul3A_599 = arith.constant 16 : i32
        %mul3A_600 = arith.muli %add3A_463, %mul3A_599 : i32
        %add3A_601 = arith.constant 9 : i32
        %add3A_602 = arith.addi %mul3A_600, %add3A_601 : i32
        %dma_start3A_603 = arith.constant 9 : i32
        %dma_start3A_604 = arith.constant 0 : i32
        %dma_start3A_605 = arith.constant 0 : i32
        %dma_start3A_606 = tpu.memref_slice %arg7[%dma_start3A_603, %dma_start3A_604, %dma_start3A_605] : memref<16x50x64xf32, #tpu.memory_space<vmem>> -> memref<1x50x64xf32, #tpu.memory_space<vmem>>
        %dma_start3A_607 = tpu.memref_squeeze %dma_start3A_606 : memref<1x50x64xf32, #tpu.memory_space<vmem>> -> memref<50x64xf32, #tpu.memory_space<vmem>>
        %dma_start3A_608 = arith.constant 0 : i32
        %dma_start3A_609 = tpu.memref_slice %arg5[%add3A_602, %dma_start3A_608] : memref<512x50xi32, #tpu.memory_space<vmem>> -> memref<1x50xi32, #tpu.memory_space<vmem>>
        %dma_start3A_610 = tpu.memref_squeeze %dma_start3A_609 : memref<1x50xi32, #tpu.memory_space<vmem>> -> memref<50xi32, #tpu.memory_space<vmem>>
        %dma_start3A_611 = arith.constant 0 : i32
        %dma_start3A_612 = arith.constant 0 : i32
        %dma_start3A_613 = tpu.memref_slice %arg3[%dma_start3A_611, %dma_start3A_612] : memref<1000000x64xf32, #tpu.memory_space<hbm>> -> memref<1000000x64xf32, #tpu.memory_space<hbm>>
        tpu.enqueue_indirect_dma source(%dma_start3A_613 : memref<1000000x64xf32, #tpu.memory_space<hbm>>) target(%dma_start3A_607 : memref<50x64xf32, #tpu.memory_space<vmem>>) offsets(%dma_start3A_610 : memref<50xi32, #tpu.memory_space<vmem>>) semaphore(%arg9 : memref<!tpu.dma_semaphore, #tpu.memory_space<semaphore_mem>>)
        %mul3A_614 = arith.constant 16 : i32
        %mul3A_615 = arith.muli %add3A_463, %mul3A_614 : i32
        %add3A_616 = arith.constant 10 : i32
        %add3A_617 = arith.addi %mul3A_615, %add3A_616 : i32
        %dma_start3A_618 = arith.constant 10 : i32
        %dma_start3A_619 = arith.constant 0 : i32
        %dma_start3A_620 = arith.constant 0 : i32
        %dma_start3A_621 = tpu.memref_slice %arg7[%dma_start3A_618, %dma_start3A_619, %dma_start3A_620] : memref<16x50x64xf32, #tpu.memory_space<vmem>> -> memref<1x50x64xf32, #tpu.memory_space<vmem>>
        %dma_start3A_622 = tpu.memref_squeeze %dma_start3A_621 : memref<1x50x64xf32, #tpu.memory_space<vmem>> -> memref<50x64xf32, #tpu.memory_space<vmem>>
        %dma_start3A_623 = arith.constant 0 : i32
        %dma_start3A_624 = tpu.memref_slice %arg5[%add3A_617, %dma_start3A_623] : memref<512x50xi32, #tpu.memory_space<vmem>> -> memref<1x50xi32, #tpu.memory_space<vmem>>
        %dma_start3A_625 = tpu.memref_squeeze %dma_start3A_624 : memref<1x50xi32, #tpu.memory_space<vmem>> -> memref<50xi32, #tpu.memory_space<vmem>>
        %dma_start3A_626 = arith.constant 0 : i32
        %dma_start3A_627 = arith.constant 0 : i32
        %dma_start3A_628 = tpu.memref_slice %arg3[%dma_start3A_626, %dma_start3A_627] : memref<1000000x64xf32, #tpu.memory_space<hbm>> -> memref<1000000x64xf32, #tpu.memory_space<hbm>>
        tpu.enqueue_indirect_dma source(%dma_start3A_628 : memref<1000000x64xf32, #tpu.memory_space<hbm>>) target(%dma_start3A_622 : memref<50x64xf32, #tpu.memory_space<vmem>>) offsets(%dma_start3A_625 : memref<50xi32, #tpu.memory_space<vmem>>) semaphore(%arg9 : memref<!tpu.dma_semaphore, #tpu.memory_space<semaphore_mem>>)
        %mul3A_629 = arith.constant 16 : i32
        %mul3A_630 = arith.muli %add3A_463, %mul3A_629 : i32
        %add3A_631 = arith.constant 11 : i32
        %add3A_632 = arith.addi %mul3A_630, %add3A_631 : i32
        %dma_start3A_633 = arith.constant 11 : i32
        %dma_start3A_634 = arith.constant 0 : i32
        %dma_start3A_635 = arith.constant 0 : i32
        %dma_start3A_636 = tpu.memref_slice %arg7[%dma_start3A_633, %dma_start3A_634, %dma_start3A_635] : memref<16x50x64xf32, #tpu.memory_space<vmem>> -> memref<1x50x64xf32, #tpu.memory_space<vmem>>
        %dma_start3A_637 = tpu.memref_squeeze %dma_start3A_636 : memref<1x50x64xf32, #tpu.memory_space<vmem>> -> memref<50x64xf32, #tpu.memory_space<vmem>>
        %dma_start3A_638 = arith.constant 0 : i32
        %dma_start3A_639 = tpu.memref_slice %arg5[%add3A_632, %dma_start3A_638] : memref<512x50xi32, #tpu.memory_space<vmem>> -> memref<1x50xi32, #tpu.memory_space<vmem>>
        %dma_start3A_640 = tpu.memref_squeeze %dma_start3A_639 : memref<1x50xi32, #tpu.memory_space<vmem>> -> memref<50xi32, #tpu.memory_space<vmem>>
        %dma_start3A_641 = arith.constant 0 : i32
        %dma_start3A_642 = arith.constant 0 : i32
        %dma_start3A_643 = tpu.memref_slice %arg3[%dma_start3A_641, %dma_start3A_642] : memref<1000000x64xf32, #tpu.memory_space<hbm>> -> memref<1000000x64xf32, #tpu.memory_space<hbm>>
        tpu.enqueue_indirect_dma source(%dma_start3A_643 : memref<1000000x64xf32, #tpu.memory_space<hbm>>) target(%dma_start3A_637 : memref<50x64xf32, #tpu.memory_space<vmem>>) offsets(%dma_start3A_640 : memref<50xi32, #tpu.memory_space<vmem>>) semaphore(%arg9 : memref<!tpu.dma_semaphore, #tpu.memory_space<semaphore_mem>>)
        %mul3A_644 = arith.constant 16 : i32
        %mul3A_645 = arith.muli %add3A_463, %mul3A_644 : i32
        %add3A_646 = arith.constant 12 : i32
        %add3A_647 = arith.addi %mul3A_645, %add3A_646 : i32
        %dma_start3A_648 = arith.constant 12 : i32
        %dma_start3A_649 = arith.constant 0 : i32
        %dma_start3A_650 = arith.constant 0 : i32
        %dma_start3A_651 = tpu.memref_slice %arg7[%dma_start3A_648, %dma_start3A_649, %dma_start3A_650] : memref<16x50x64xf32, #tpu.memory_space<vmem>> -> memref<1x50x64xf32, #tpu.memory_space<vmem>>
        %dma_start3A_652 = tpu.memref_squeeze %dma_start3A_651 : memref<1x50x64xf32, #tpu.memory_space<vmem>> -> memref<50x64xf32, #tpu.memory_space<vmem>>
        %dma_start3A_653 = arith.constant 0 : i32
        %dma_start3A_654 = tpu.memref_slice %arg5[%add3A_647, %dma_start3A_653] : memref<512x50xi32, #tpu.memory_space<vmem>> -> memref<1x50xi32, #tpu.memory_space<vmem>>
        %dma_start3A_655 = tpu.memref_squeeze %dma_start3A_654 : memref<1x50xi32, #tpu.memory_space<vmem>> -> memref<50xi32, #tpu.memory_space<vmem>>
        %dma_start3A_656 = arith.constant 0 : i32
        %dma_start3A_657 = arith.constant 0 : i32
        %dma_start3A_658 = tpu.memref_slice %arg3[%dma_start3A_656, %dma_start3A_657] : memref<1000000x64xf32, #tpu.memory_space<hbm>> -> memref<1000000x64xf32, #tpu.memory_space<hbm>>
        tpu.enqueue_indirect_dma source(%dma_start3A_658 : memref<1000000x64xf32, #tpu.memory_space<hbm>>) target(%dma_start3A_652 : memref<50x64xf32, #tpu.memory_space<vmem>>) offsets(%dma_start3A_655 : memref<50xi32, #tpu.memory_space<vmem>>) semaphore(%arg9 : memref<!tpu.dma_semaphore, #tpu.memory_space<semaphore_mem>>)
        %mul3A_659 = arith.constant 16 : i32
        %mul3A_660 = arith.muli %add3A_463, %mul3A_659 : i32
        %add3A_661 = arith.constant 13 : i32
        %add3A_662 = arith.addi %mul3A_660, %add3A_661 : i32
        %dma_start3A_663 = arith.constant 13 : i32
        %dma_start3A_664 = arith.constant 0 : i32
        %dma_start3A_665 = arith.constant 0 : i32
        %dma_start3A_666 = tpu.memref_slice %arg7[%dma_start3A_663, %dma_start3A_664, %dma_start3A_665] : memref<16x50x64xf32, #tpu.memory_space<vmem>> -> memref<1x50x64xf32, #tpu.memory_space<vmem>>
        %dma_start3A_667 = tpu.memref_squeeze %dma_start3A_666 : memref<1x50x64xf32, #tpu.memory_space<vmem>> -> memref<50x64xf32, #tpu.memory_space<vmem>>
        %dma_start3A_668 = arith.constant 0 : i32
        %dma_start3A_669 = tpu.memref_slice %arg5[%add3A_662, %dma_start3A_668] : memref<512x50xi32, #tpu.memory_space<vmem>> -> memref<1x50xi32, #tpu.memory_space<vmem>>
        %dma_start3A_670 = tpu.memref_squeeze %dma_start3A_669 : memref<1x50xi32, #tpu.memory_space<vmem>> -> memref<50xi32, #tpu.memory_space<vmem>>
        %dma_start3A_671 = arith.constant 0 : i32
        %dma_start3A_672 = arith.constant 0 : i32
        %dma_start3A_673 = tpu.memref_slice %arg3[%dma_start3A_671, %dma_start3A_672] : memref<1000000x64xf32, #tpu.memory_space<hbm>> -> memref<1000000x64xf32, #tpu.memory_space<hbm>>
        tpu.enqueue_indirect_dma source(%dma_start3A_673 : memref<1000000x64xf32, #tpu.memory_space<hbm>>) target(%dma_start3A_667 : memref<50x64xf32, #tpu.memory_space<vmem>>) offsets(%dma_start3A_670 : memref<50xi32, #tpu.memory_space<vmem>>) semaphore(%arg9 : memref<!tpu.dma_semaphore, #tpu.memory_space<semaphore_mem>>)
        %mul3A_674 = arith.constant 16 : i32
        %mul3A_675 = arith.muli %add3A_463, %mul3A_674 : i32
        %add3A_676 = arith.constant 14 : i32
        %add3A_677 = arith.addi %mul3A_675, %add3A_676 : i32
        %dma_start3A_678 = arith.constant 14 : i32
        %dma_start3A_679 = arith.constant 0 : i32
        %dma_start3A_680 = arith.constant 0 : i32
        %dma_start3A_681 = tpu.memref_slice %arg7[%dma_start3A_678, %dma_start3A_679, %dma_start3A_680] : memref<16x50x64xf32, #tpu.memory_space<vmem>> -> memref<1x50x64xf32, #tpu.memory_space<vmem>>
        %dma_start3A_682 = tpu.memref_squeeze %dma_start3A_681 : memref<1x50x64xf32, #tpu.memory_space<vmem>> -> memref<50x64xf32, #tpu.memory_space<vmem>>
        %dma_start3A_683 = arith.constant 0 : i32
        %dma_start3A_684 = tpu.memref_slice %arg5[%add3A_677, %dma_start3A_683] : memref<512x50xi32, #tpu.memory_space<vmem>> -> memref<1x50xi32, #tpu.memory_space<vmem>>
        %dma_start3A_685 = tpu.memref_squeeze %dma_start3A_684 : memref<1x50xi32, #tpu.memory_space<vmem>> -> memref<50xi32, #tpu.memory_space<vmem>>
        %dma_start3A_686 = arith.constant 0 : i32
        %dma_start3A_687 = arith.constant 0 : i32
        %dma_start3A_688 = tpu.memref_slice %arg3[%dma_start3A_686, %dma_start3A_687] : memref<1000000x64xf32, #tpu.memory_space<hbm>> -> memref<1000000x64xf32, #tpu.memory_space<hbm>>
        tpu.enqueue_indirect_dma source(%dma_start3A_688 : memref<1000000x64xf32, #tpu.memory_space<hbm>>) target(%dma_start3A_682 : memref<50x64xf32, #tpu.memory_space<vmem>>) offsets(%dma_start3A_685 : memref<50xi32, #tpu.memory_space<vmem>>) semaphore(%arg9 : memref<!tpu.dma_semaphore, #tpu.memory_space<semaphore_mem>>)
        %mul3A_689 = arith.constant 16 : i32
        %mul3A_690 = arith.muli %add3A_463, %mul3A_689 : i32
        %add3A_691 = arith.constant 15 : i32
        %add3A_692 = arith.addi %mul3A_690, %add3A_691 : i32
        %dma_start3A_693 = arith.constant 15 : i32
        %dma_start3A_694 = arith.constant 0 : i32
        %dma_start3A_695 = arith.constant 0 : i32
        %dma_start3A_696 = tpu.memref_slice %arg7[%dma_start3A_693, %dma_start3A_694, %dma_start3A_695] : memref<16x50x64xf32, #tpu.memory_space<vmem>> -> memref<1x50x64xf32, #tpu.memory_space<vmem>>
        %dma_start3A_697 = tpu.memref_squeeze %dma_start3A_696 : memref<1x50x64xf32, #tpu.memory_space<vmem>> -> memref<50x64xf32, #tpu.memory_space<vmem>>
        %dma_start3A_698 = arith.constant 0 : i32
        %dma_start3A_699 = tpu.memref_slice %arg5[%add3A_692, %dma_start3A_698] : memref<512x50xi32, #tpu.memory_space<vmem>> -> memref<1x50xi32, #tpu.memory_space<vmem>>
        %dma_start3A_700 = tpu.memref_squeeze %dma_start3A_699 : memref<1x50xi32, #tpu.memory_space<vmem>> -> memref<50xi32, #tpu.memory_space<vmem>>
        %dma_start3A_701 = arith.constant 0 : i32
        %dma_start3A_702 = arith.constant 0 : i32
        %dma_start3A_703 = tpu.memref_slice %arg3[%dma_start3A_701, %dma_start3A_702] : memref<1000000x64xf32, #tpu.memory_space<hbm>> -> memref<1000000x64xf32, #tpu.memory_space<hbm>>
        tpu.enqueue_indirect_dma source(%dma_start3A_703 : memref<1000000x64xf32, #tpu.memory_space<hbm>>) target(%dma_start3A_697 : memref<50x64xf32, #tpu.memory_space<vmem>>) offsets(%dma_start3A_700 : memref<50xi32, #tpu.memory_space<vmem>>) semaphore(%arg9 : memref<!tpu.dma_semaphore, #tpu.memory_space<semaphore_mem>>)
      } else {
      }
    }
    %scan3A_390 = arith.constant 16 : i32
    %dma_wait3A = arith.constant 0 : i32
    %dma_wait3A_391 = arith.constant 0 : i32
    %dma_wait3A_392 = tpu.memref_slice %arg4[%mul3A_2, %dma_wait3A, %dma_wait3A_391] : memref<16384x56x128xf32, #tpu.memory_space<hbm>> -> memref<16x50x64xf32, #tpu.memory_space<hbm>>
    %dma_wait3A_393 = arith.constant 0 : i32
    %dma_wait3A_394 = arith.constant 0 : i32
    %dma_wait3A_395 = tpu.memref_slice %arg4[%mul3A_2, %dma_wait3A_393, %dma_wait3A_394] : memref<16384x56x128xf32, #tpu.memory_space<hbm>> -> memref<16x50x64xf32, #tpu.memory_space<hbm>>
    tpu.wait_dma2 semaphore(%arg10 : memref<!tpu.dma_semaphore, #tpu.memory_space<semaphore_mem>>) src(%arg6 : memref<16x50x64xf32, #tpu.memory_space<vmem>>) dst(%dma_wait3A_395 : memref<16x50x64xf32, #tpu.memory_space<hbm>>)
    %dma_wait3A_396 = arith.constant 0 : i32
    %dma_wait3A_397 = arith.constant 0 : i32
    %dma_wait3A_398 = tpu.memref_slice %arg4[%mul3A_2, %dma_wait3A_396, %dma_wait3A_397] : memref<16384x56x128xf32, #tpu.memory_space<hbm>> -> memref<16x50x64xf32, #tpu.memory_space<hbm>>
    %dma_wait3A_399 = arith.constant 0 : i32
    %dma_wait3A_400 = arith.constant 0 : i32
    %dma_wait3A_401 = tpu.memref_slice %arg4[%mul3A_2, %dma_wait3A_399, %dma_wait3A_400] : memref<16384x56x128xf32, #tpu.memory_space<hbm>> -> memref<16x50x64xf32, #tpu.memory_space<hbm>>
    tpu.wait_dma2 semaphore(%arg11 : memref<!tpu.dma_semaphore, #tpu.memory_space<semaphore_mem>>) src(%arg7 : memref<16x50x64xf32, #tpu.memory_space<vmem>>) dst(%dma_wait3A_401 : memref<16x50x64xf32, #tpu.memory_space<hbm>>)
    return
  }
}

</mosaic_0001>

<sc_bundles>
// kernel: kernel.3.cloned.1.call-start
scs
__scs_entry_jumppad:
0x0: {  	(pc) =	sbr.rel $0x88, $3  }
0x1: {  	(tag) =	ssettag $0x0;
	lr =	simm.s32 $0x1  }
0x2: {  	[smem:$0x3F9F] =	sst lr;
	_ =	strace $0xD0000000  }
0x3: {  	_ = 	snop  }
0x4: {  	_ = 	snop  }
0x5: {  	_ = 	snop  }
0x6: {  	_ = 	snop  }
0x7: {  	_ = 	snop  }
__scs_overlays_trampoline_lowered:
0x8: {  	[smem:$0x3FAE] =	sst s0  }
0x9: {  	[smem:$0x3FAF] =	sst s1  }
0xa: {  	[smem:$0x3FB0] =	sst s2  }
0xb: {  	[smem:$0x3FB1] =	sst s3  }
0xc: {  	[smem:$0x3FB2] =	sst s4  }
0xd: {  	[smem:$0x3FB3] =	sst s5  }
0xe: {  	[smem:$0x3FB4] =	sst s6  }
0xf: {  	[smem:$0x3FB5] =	sst s7  }
0x10: {  	[smem:$0x3FB6] =	sst s8  }
0x11: {  	[smem:$0x3FB7] =	sst s9;
	s0 =	simm.s32 @!p0 $0x0  }
0x12: {  	s1 =	sld [smem:$0x3F9D];
	s0 =	simm.s32 @p0 $0x1  }
0x13: {  	[smem:$0x3FB8] =	sst s0;
	s0 =	simm.s32 @!p1 $0x0  }
0x14: {  	s2 =	sld [smem:$0x3F9C];
	s0 =	simm.s32 @p1 $0x1  }
0x15: {  	[smem:$0x3FB9] =	sst s0;
	s0 =	simm.s32 @!p2 $0x0  }
0x16: {  	s3 =	sld [smem:$0x3FDB];
	s0 =	simm.s32 @p2 $0x1  }
0x17: {  	s4 =	simm.s32 $0x1BF5;
	[smem:$0x3FBB] =	sst s0  }
0x18: {  	s0 =	sld [smem:$0x3F9E];
	_ =	swait.ge [sflag:s4], $0x0  }
0x19: {  	s7 =	sld [smem:$0x3F9F]  }
0x1a: {  	s8 =	sadd.s32 $0xFFFFE003, lr  }
0x1b: {  	s9 =	sadd.s32 $0xFFFFFEF7, lr;
	s5 =	simm.s32 $0xFFFFFFFF;
	p2 =	slt.u32 s8, $0xFFFFF086  }
0x1c: {  	p1 =	slt.u32 s9, $0xF7A;
	s5 =	simm.s32 @!p2 $0x0  }
0x1d: {  	s5 =	simm.s32 @p1 $0x1;
	p0 =	seq.s32 s7, s2  }
0x1e: {  	s7 =	smul.u32 @!p0 $0xF7A, s2;
	p2 =	seq.s32 @!p0 s5, $0x0  }
0x1f: {  	s9 =	smul.u32 $0xF7A, s1;
	s8 =	simm.s32 @!p0 $0x1BF5;
	p2 =	por !p2, p0  }
0x20: {  	[sflag:s8] =	ssyncset.s32 @!p0 $0xFFFFF086;
	s6 =	sadd.s32 @!p0 s3, s7;
	s7 =	simm.s32 @!p0 $0x108  }
0x21: {  	s3 =	sadd.s32 s3, s9;
	s6 =	sadd.s32 @!p0 $0x88, s6;
	s7 =	simm.s32 @p2 $0x1082  }
0x22: {  	[simem:s7], [sflag:s8] =	dma.local @!p0 [hbm:s6], $0xF7A  }
0x23: {  	s9 =	sor.u32 $0xD0000000, s2;
	s6 =	simm.s32 $0x108;
	_ =	swait.ge @!p0 [sflag:s8], $0x0  }
0x24: {  	s3 =	sadd.s32 $0x88, s3;
	s6 =	simm.s32 @!p1 $0x1082;
	[sflag:s4] =	ssyncset.s32 $0xFFFFF086  }
0x25: {  	[simem:s6], [sflag:s4] =	dma.local [hbm:s3], $0xF7A  }
0x26: {  	[smem:$0x3F9F] =	sst s1;
	(tag) =	ssettag s2;
	_ =	strace s9  }
0x27: {  	s1 =	sld [smem:$0x3FAF]  }
0x28: {  	s2 =	sld [smem:$0x3FB0]  }
0x29: {  	s4 =	sld [smem:$0x3FB2]  }
0x2a: {  	p0 =	seq.s32 s5, $0x0;
	s5 =	sld [smem:$0x3FB3]  }
0x2b: {  	s6 =	sld [smem:$0x3FB4]  }
0x2c: {  	s7 =	sld [smem:$0x3FB5]  }
0x2d: {  	s3 =	simm.s32 $0x108;
	s8 =	sld [smem:$0x3FB6]  }
0x2e: {  	s3 =	simm.s32 @!p0 $0x1082;
	s9 =	sld [smem:$0x3FB7]  }
0x2f: {  	lr =	sadd.s32 s0, s3;
	s0 =	sld [smem:$0x3FAE]  }
0x30: {  	s3 =	sld [smem:$0x3FB1]  }
0x31: {  	[smem:$0x3FBA] =	sst s10  }
0x32: {  	s10 =	sld [smem:$0x3FB8];
	_ =	sdelay $0x3  }
0x33: {  	p0 =	seq.s32 s10, $0x1;
	s10 =	sld [smem:$0x3FBA];
	_ =	sdelay $0x3  }
0x34: {  	[smem:$0x3FBA] =	sst s10  }
0x35: {  	s10 =	sld [smem:$0x3FB9];
	_ =	sdelay $0x3  }
0x36: {  	p1 =	seq.s32 s10, $0x1;
	s10 =	sld [smem:$0x3FBA];
	_ =	sdelay $0x3  }
0x37: {  	[smem:$0x3FBA] =	sst s10  }
0x38: {  	s10 =	sld [smem:$0x3FBB]  }
0x39: {  	_ = 	snop;
	(pc) =	sbr.ind lr, $3  }
0x3a: {  	_ = 	snop  }
0x3b: {  	_ = 	snop  }
0x3c: {  	p2 =	seq.s32 s10, $0x1;
	s10 =	sld [smem:$0x3FBA]  }
0x3d: {  	_ =	shalt  }
0x3e: {  	_ =	shalt  }
0x3f: {  	_ =	shalt  }
0x40: {  	_ =	shalt  }
0x41: {  	_ =	shalt  }
0x42: {  	_ =	shalt  }
0x43: {  	_ =	shalt  }
0x44: {  	_ =	shalt  }
0x45: {  	_ =	shalt  }
0x46: {  	_ =	shalt  }
0x47: {  	_ =	shalt  }
0x48: {  	_ =	shalt  }
0x49: {  	_ =	shalt  }
0x4a: {  	_ =	shalt  }
0x4b: {  	_ =	shalt  }
0x4c: {  	_ =	shalt  }
0x4d: {  	_ =	shalt  }
0x4e: {  	_ =	shalt  }
0x4f: {  	_ =	shalt  }
0x50: {  	_ =	shalt  }
0x51: {  	_ =	shalt  }
0x52: {  	_ =	shalt  }
0x53: {  	_ =	shalt  }
0x54: {  	_ =	shalt  }
0x55: {  	_ =	shalt  }
0x56: {  	_ =	shalt  }
0x57: {  	_ =	shalt  }
0x58: {  	_ =	shalt  }
0x59: {  	_ =	shalt  }
0x5a: {  	_ =	shalt  }
0x5b: {  	_ =	shalt  }
0x5c: {  	_ =	shalt  }
0x5d: {  	_ =	shalt  }
0x5e: {  	_ =	shalt  }
0x5f: {  	_ =	shalt  }
0x60: {  	_ =	shalt  }
0x61: {  	_ =	shalt  }
0x62: {  	_ =	shalt  }
0x63: {  	_ =	shalt  }
0x64: {  	_ =	shalt  }
0x65: {  	_ =	shalt  }
0x66: {  	_ =	shalt  }
0x67: {  	_ =	shalt  }
0x68: {  	_ =	shalt  }
0x69: {  	_ =	shalt  }
0x6a: {  	_ =	shalt  }
0x6b: {  	_ =	shalt  }
0x6c: {  	_ =	shalt  }
0x6d: {  	_ =	shalt  }
0x6e: {  	_ =	shalt  }
0x6f: {  	_ =	shalt  }
0x70: {  	_ =	shalt  }
0x71: {  	_ =	shalt  }
0x72: {  	_ =	shalt  }
0x73: {  	_ =	shalt  }
0x74: {  	_ =	shalt  }
0x75: {  	_ =	shalt  }
0x76: {  	_ =	shalt  }
0x77: {  	_ =	shalt  }
0x78: {  	_ =	shalt  }
0x79: {  	_ =	shalt  }
0x7a: {  	_ =	shalt  }
0x7b: {  	_ =	shalt  }
0x7c: {  	_ =	shalt  }
0x7d: {  	_ =	shalt  }
0x7e: {  	_ =	shalt  }
0x7f: {  	_ =	shalt  }
0x80: {  	_ =	shalt  }
0x81: {  	_ =	shalt  }
0x82: {  	_ =	shalt  }
0x83: {  	_ =	shalt  }
0x84: {  	_ =	shalt  }
0x85: {  	_ =	shalt  }
0x86: {  	_ =	shalt  }
0x87: {  	_ =	shalt  }
.Lfunc_end0:
.L_simem_size_0:
called_computation.1_lowered:
.L_overlay_start_0:
0x88: {  	s2 =	sld [smem:$0x3FD9]  }
0x89: {  	s3 =	sld [smem:$0x3FFE];
	_ =	sdelay $0x1  }
0x8a: {  	s1 =	srdreg.scid  }
0x8b: {  	s0 =	sand.u32 $0x1, s1  }
0x8c: {  	s17 =	sshll.u32 s0, $0xA;
	s2 =	sadd.s32 s3, s2  }
0x8d: {  	s2 =	sadd.s32 s2, s17  }
0x8e: {  	[smem:$0x3FC6] =	sst s2  }
0x8f: {  	_ = 	snop  }
0x90: {  	s2 =	sld [smem:$0x3FD0];
	(tm) =	ssettm $0x1  }
0x91: {  	s18 =	sld [smem:$0x3FFB];
	_ =	sdelay $0x3  }
0x92: {  	_ =	strace s18  }
0x93: {  	s3 =	sld [smem:$0x3FFC];
	_ =	sdelay $0x3  }
0x94: {  	_ =	strace s3  }
0x95: {  	s3 =	sld [smem:$0x3FFD];
	_ =	sdelay $0x3  }
0x96: {  	_ =	strace s3  }
0x97: {  	_ =	strace $0x8FFFFFFF  }
0x98: {  	s19 =	sld [smem:$0x3FDB];
	_ =	sdelay $0x1  }
0x99: {  	s4 =	simm.s32 $_scs_section_size  }
0x9a: {  	s5 =	simm.s32 $_size__tile_overlayer_lowered;
	s6 =	simm.s32 $_tile_overlayer_lowered  }
0x9b: {  	s22 =	simm.s32 $0x1BFF;
	s21 =	sshll.u32 s6, $0x1;
	s3 =	sadd.s32 s4, s19  }
0x9c: {  	s7 =	simm.s32 $0x0;
	s20 =	sshll.u32 s5, $0x1;
	s5 =	sadd.s32 s21, s3  }
0x9d: {  	[timem:s7], [sflag:s22] =	dma.local [hbm:s5], s20  }
0x9e: {  	_ =	swait.ge [sflag:s22], s20  }
0x9f: {  	s4 =	ssub.s32 $0x0, s20;
	[sflag:s22] =	ssyncset.done $0x0  }
0xa0: {  	[sflag:s22] =	ssyncadd.s32 s4;
	_ =	sdelay $0x1  }
0xa1: {  	s23 =	simm.s32 $0x1B8B  }
0xa2: {  	_ =	swait.ge [sflag:s23], $0x1  }
0xa3: {  	[sflag:s23] =	ssyncset.done $0x0  }
0xa4: {  	s25 =	simm.s32 $0x1B8E;
	s24 =	sld [smem:$0x3FFE];
	[sflag:s23] =	ssyncadd.s32 $0xFFFFFFFF  }
0xa5: {  	s26 =	simm.s32 $execute0_lowered;
	[smem:$0x3FD2] =	sst s25  }
0xa6: {  	s5 =	sshll.u32 s26, $0x1;
	_ =	strace $0x80000046;
	[dreg:$0x1] =	wrdreg $0xFFFFFFFF  }
0xa7: {  	s28 =	simm.s32 $_size_execute0_lowered;
	s3 =	sadd.s32 s3, s5;
	[dreg:$0x0] =	wrdreg $0x0  }
0xa8: {  	s5 =	sshll.u32 s28, $0x1;
	[dreg:$0x2] =	wrdreg s3  }
0xa9: {  	[dreg:$0x3] =	wrdreg s5  }
0xaa: {  	[dreg:$0x4] =	wrdreg $0xC0  }
0xab: {  	_ =	task [dreg:s7], $0x5FFFF  }
0xac: {  	[dreg:$0x1] =	wrdreg $0xFFFFFFFF  }
0xad: {  	[dreg:$0x0] =	wrdreg $0x60  }
0xae: {  	[dreg:$0x2] =	wrdreg s2  }
0xaf: {  	[dreg:$0x3] =	wrdreg s24  }
0xb0: {  	[dreg:$0x4] =	wrdreg $0x9  }
0xb1: {  	_ =	task.clear_ibuf [dreg:s7], $0x5FFFF;
	_ =	strace $0x90000046  }
0xb2: {  	s29 =	simm.s32 $0x9;
	_ =	strace $0x80000048  }
0xb3: {  	_ =	swait.ge [sflag:s29], $0x1  }
0xb4: {  	[sflag:s29] =	ssyncadd.s32 $0xFFFFFFFF  }
0xb5: {  	_ =	strace $0x90000048  }
0xb6: {  	_ =	sfence  }
0xb7: {  	s30 =	sld [smem:$0x0];
	_ =	sdelay $0x2  }
0xb8: {  	s31 =	sshll.u32 s1, $0xD;
	s1 =	sshrl.u32 s1, $0x2  }
0xb9: {  	s3 =	sand.u32 $0x4000, s31;
	s1 =	sadd.s32 s1, s30  }
0xba: {  	s0 =	sor.u32 s3, s0;
	s1 =	sshll.u32 s1, $0x11  }
0xbb: {  	s0 =	sor.u32 s1, s0  }
0xbc: {  	s0 =	sadd.s32 $0x8F2B, s0  }
0xbd: {  	[sflag:s0] =	ssyncadd.remote.s32 $0x1  }
0xbe: {  	_ =	sfence.sel $0xFFFF  }
0xbf: {  	[dreg:$0x0] =	wrdreg $0xFFFFFFFF;
	(pc) =	sbr.abs _section_cstart, $3  }
0xc0: {  	[dreg:$0x1] =	wrdreg $0xFFFFFFFF  }
0xc1: {  	_ =	task.clear_ibuf [dreg:s7], $0x2FFFF;
	_ =	strace $0x9FFFFFFF  }
0xc2: {  	(tm) =	ssettm $0x7FFFFFFF  }
0xc3: {  	_ =	shalt  }
tec
execute0_lowered:
.L_overlay_start_1:
0x0: {  	(tag) =	ssettag $0x1  }
0x1: {  	s0 =	rddreg [dreg:$0x0]  }
0x2: {  	s1 =	rddreg [dreg:$0x1];
	s2 =	simm.s32 $0x0;
	s22 =	srdreg.scid  }
0x3: {  	s4 =	stileid.u32;
	s28 =	simm.s32 $0x7C80;
	s30 =	simm.s32 $0x8900  }
0x4: {  	s10 =	simm.s32 $0x9580;
	s14 =	simm.s32 $0xA200;
	s18 =	simm.s32 $0xAE80  }
0x5: {  	s12 =	simm.s32 $0xE080;
	s20 =	simm.s32 $0xED00;
	s29 =	simm.s32 $0xF980  }
0x6: {  	s16 =	simm.s32 $0x10600;
	s8 =	simm.s32 $0x16A00;
	s9 =	simm.s32 $0x17680  }
0x7: {  	s11 =	simm.s32 $0x18300;
	s31 =	simm.s32 $0x18F80;
	s13 =	simm.s32 $0x1  }
0x8: {  	s15 =	simm.s32 $0x40;
	s17 =	simm.s32 $0x80;
	s19 =	simm.s32 $0x2  }
0x9: {  	s21 =	simm.s32 $0x0;
	[smem:$0x7FF] =	sst s2;
	s2 =	sand.u32 $0x1, s22  }
0xa: {  	s3 =	smul.u32 $0xE0000, s4;
	s4 =	sshll.u32 s4, $0xA;
	s22 =	simm.s32 $0xBB00  }
0xb: {  	_ =	strace $0x80000047;
	s5 =	sshll.u32 s2, $0x9;
	s6 =	ssub.s32 $0x2, s2  }
0xc: {  	s2 =	smul.u32 $0x70000, s2;
	s4 =	sor.u32 s5, s4;
	s23 =	sadd.s32 s3, s1  }
0xd: {  	s7 =	sshrl.u32 s6, $0x1;
	s3 =	sadd.s32 $0xF42E00, s1;
	s1 =	simm.s32 $0x11280  }
0xe: {  	s5 =	simm.s32 $0x14480;
	s4 =	smul.u32 $0x7, s4;
	s24 =	ssub.s32 s6, s7  }
0xf: {  	s2 =	sadd.s32 s2, s23;
	s23 =	simm.s32 $0xC780;
	s6 =	simm.s32 $0x15100  }
0x10: {  	s7 =	simm.s32 $0x15D80;
	s25 =	smax.u32 s24, $0x1;
	s26 =	sadd.s32 $0xA00, s2  }
0x11: {  	s24 =	simm.s32 $0x11F00;
	s2 =	simm.s32 $0x12B80;
	[dreg:$0x4] =	wrdreg s25  }
0x12: {  	s0 =	sadd.s32 s0, s4;
	[dreg:$0x5] =	wrdreg s26;
	s25 =	simm.s32 $0x7000  }
0x13: {  	s26 =	simm.s32 $0xD400;
	s4 =	simm.s32 $0x13800;
	[dreg:$0x3] =	wrdreg s0  }
.LBB2_1:
0x14: {  	[dreg:$0x6] =	wrdreg s21  }
0x15: {  	s0 =	simm.s32 $0x0;
	s21 =	rddreg [dreg:$0x3]  }
0x16: {  	[tilespmem:s0], [sflag:$0x5] =	stream.linear.gather [hbm4b:s21+s0], $0x7000, $0x38;
	v63 =	vld [tilespmem:$0x0]  }
0x17: {  	s21 =	simm.s32 $0x5  }
0x18: {  	_ =	swait.ge [sflag:s21], $0x7000  }
0x19: {  	[sflag:s21] =	ssyncset.done $0x0  }
0x1a: {  	[sflag:s21] =	ssyncadd.s32 $0xFFFF9000;
	s21 =	simm.s32 $0x32  }
0x1b: {  	[tilespmem:s25], [sflag:$0x1] =	stream.indirect.gather [hbm4b:s3+s21], $0x40, s0, s21, $0xb8;
	v63 =	vld [tilespmem:$0x0]  }
0x1c: {  	s0 =	simm.s32 $0x38  }
0x1d: {  	[tilespmem:s28], [sflag:$0x1] =	stream.indirect.gather [hbm4b:s3+s21], $0x40, s0, s21, $0xb8;
	v63 =	vld [tilespmem:$0x0]  }
0x1e: {  	s0 =	simm.s32 $0x70  }
0x1f: {  	[tilespmem:s30], [sflag:$0x1] =	stream.indirect.gather [hbm4b:s3+s21], $0x40, s0, s21, $0xb8;
	v63 =	vld [tilespmem:$0x0]  }
0x20: {  	s0 =	simm.s32 $0xA8  }
0x21: {  	[tilespmem:s10], [sflag:$0x1] =	stream.indirect.gather [hbm4b:s3+s21], $0x40, s0, s21, $0xb8;
	v63 =	vld [tilespmem:$0x0]  }
0x22: {  	s10 =	simm.s32 $0xE0  }
0x23: {  	[tilespmem:s14], [sflag:$0x1] =	stream.indirect.gather [hbm4b:s3+s21], $0x40, s10, s21, $0xb8;
	v63 =	vld [tilespmem:$0x0]  }
0x24: {  	s14 =	simm.s32 $0x118  }
0x25: {  	[tilespmem:s18], [sflag:$0x1] =	stream.indirect.gather [hbm4b:s3+s21], $0x40, s14, s21, $0xb8;
	v63 =	vld [tilespmem:$0x0]  }
0x26: {  	s18 =	simm.s32 $0x150  }
0x27: {  	[tilespmem:s22], [sflag:$0x1] =	stream.indirect.gather [hbm4b:s3+s21], $0x40, s18, s21, $0xb8;
	v63 =	vld [tilespmem:$0x0]  }
0x28: {  	s22 =	simm.s32 $0x188  }
0x29: {  	[tilespmem:s23], [sflag:$0x1] =	stream.indirect.gather [hbm4b:s3+s21], $0x40, s22, s21, $0xb8;
	v63 =	vld [tilespmem:$0x0]  }
0x2a: {  	s23 =	simm.s32 $0x1C0  }
0x2b: {  	[tilespmem:s26], [sflag:$0x1] =	stream.indirect.gather [hbm4b:s3+s21], $0x40, s23, s21, $0xb8;
	v63 =	vld [tilespmem:$0x0]  }
0x2c: {  	s10 =	simm.s32 $0x1F8  }
0x2d: {  	[tilespmem:s12], [sflag:$0x1] =	stream.indirect.gather [hbm4b:s3+s21], $0x40, s10, s21, $0xb8;
	v63 =	vld [tilespmem:$0x0]  }
0x2e: {  	s14 =	simm.s32 $0x230  }
0x2f: {  	[tilespmem:s20], [sflag:$0x1] =	stream.indirect.gather [hbm4b:s3+s21], $0x40, s14, s21, $0xb8;
	v63 =	vld [tilespmem:$0x0]  }
0x30: {  	s18 =	simm.s32 $0x268  }
0x31: {  	[tilespmem:s29], [sflag:$0x1] =	stream.indirect.gather [hbm4b:s3+s21], $0x40, s18, s21, $0xb8;
	v63 =	vld [tilespmem:$0x0]  }
0x32: {  	s20 =	simm.s32 $0x2A0  }
0x33: {  	[tilespmem:s16], [sflag:$0x1] =	stream.indirect.gather [hbm4b:s3+s21], $0x40, s20, s21, $0xb8;
	v63 =	vld [tilespmem:$0x0]  }
0x34: {  	s22 =	simm.s32 $0x2D8  }
0x35: {  	[tilespmem:s1], [sflag:$0x1] =	stream.indirect.gather [hbm4b:s3+s21], $0x40, s22, s21, $0xb8;
	v63 =	vld [tilespmem:$0x0]  }
0x36: {  	s23 =	simm.s32 $0x310  }
0x37: {  	[tilespmem:s24], [sflag:$0x1] =	stream.indirect.gather [hbm4b:s3+s21], $0x40, s23, s21, $0xb8;
	v63 =	vld [tilespmem:$0x0]  }
0x38: {  	s24 =	simm.s32 $0x348  }
0x39: {  	[tilespmem:s2], [sflag:$0x1] =	stream.indirect.gather [hbm4b:s3+s21], $0x40, s24, s21, $0xb8;
	v63 =	vld [tilespmem:$0x0]  }
0x3a: {  	s26 =	simm.s32 $0x380  }
0x3b: {  	[tilespmem:s4], [sflag:$0x2] =	stream.indirect.gather [hbm4b:s3+s21], $0x40, s26, s21, $0xb8;
	v63 =	vld [tilespmem:$0x0]  }
0x3c: {  	s1 =	simm.s32 $0x3B8  }
0x3d: {  	[tilespmem:s5], [sflag:$0x2] =	stream.indirect.gather [hbm4b:s3+s21], $0x40, s1, s21, $0xb8;
	v63 =	vld [tilespmem:$0x0]  }
0x3e: {  	s2 =	simm.s32 $0x3F0  }
0x3f: {  	[tilespmem:s6], [sflag:$0x2] =	stream.indirect.gather [hbm4b:s3+s21], $0x40, s2, s21, $0xb8;
	v63 =	vld [tilespmem:$0x0]  }
0x40: {  	s4 =	simm.s32 $0x428  }
0x41: {  	[tilespmem:s7], [sflag:$0x2] =	stream.indirect.gather [hbm4b:s3+s21], $0x40, s4, s21, $0xb8;
	v63 =	vld [tilespmem:$0x0]  }
0x42: {  	s10 =	simm.s32 $0x540;
	s5 =	simm.s32 $0x460  }
0x43: {  	[tilespmem:s8], [sflag:$0x2] =	stream.indirect.gather [hbm4b:s3+s21], $0x40, s5, s21, $0xb8;
	v63 =	vld [tilespmem:$0x0]  }
0x44: {  	s12 =	simm.s32 $0x578;
	s14 =	simm.s32 $0x1B500;
	s6 =	simm.s32 $0x498  }
0x45: {  	[tilespmem:s9], [sflag:$0x2] =	stream.indirect.gather [hbm4b:s3+s21], $0x40, s6, s21, $0xb8;
	v63 =	vld [tilespmem:$0x0]  }
0x46: {  	s18 =	simm.s32 $0x1C180;
	s29 =	simm.s32 $0xF980;
	s7 =	simm.s32 $0x4D0  }
0x47: {  	[tilespmem:s11], [sflag:$0x2] =	stream.indirect.gather [hbm4b:s3+s21], $0x40, s7, s21, $0xb8;
	v63 =	vld [tilespmem:$0x0]  }
0x48: {  	s16 =	simm.s32 $0x5B0;
	s20 =	simm.s32 $0x5E8;
	s8 =	simm.s32 $0x508  }
0x49: {  	[tilespmem:s31], [sflag:$0x2] =	stream.indirect.gather [hbm4b:s3+s21], $0x40, s8, s21, $0xb8;
	v63 =	vld [tilespmem:$0x0]  }
0x4a: {  	s22 =	simm.s32 $0x620;
	s23 =	simm.s32 $0x658;
	s9 =	simm.s32 $0x19C00  }
0x4b: {  	[tilespmem:s9], [sflag:$0x2] =	stream.indirect.gather [hbm4b:s3+s21], $0x40, s10, s21, $0xb8;
	v63 =	vld [tilespmem:$0x0]  }
0x4c: {  	s24 =	simm.s32 $0x690;
	s26 =	simm.s32 $0x6C8;
	s11 =	simm.s32 $0x1A880  }
0x4d: {  	[tilespmem:s11], [sflag:$0x2] =	stream.indirect.gather [hbm4b:s3+s21], $0x40, s12, s21, $0xb8;
	v63 =	vld [tilespmem:$0x0]  }
0x4e: {  	s1 =	simm.s32 $0x11280;
	s2 =	simm.s32 $0x12B80;
	s4 =	simm.s32 $0x13800  }
0x4f: {  	[tilespmem:s14], [sflag:$0x2] =	stream.indirect.gather [hbm4b:s3+s21], $0x40, s16, s21, $0xb8;
	v63 =	vld [tilespmem:$0x0]  }
0x50: {  	s5 =	simm.s32 $0x14480;
	s6 =	simm.s32 $0x15100;
	s7 =	simm.s32 $0x15D80  }
0x51: {  	[tilespmem:s18], [sflag:$0x2] =	stream.indirect.gather [hbm4b:s3+s21], $0x40, s20, s21, $0xb8;
	v63 =	vld [tilespmem:$0x0]  }
0x52: {  	s31 =	simm.s32 $0x1F380;
	s8 =	simm.s32 $0x16A00;
	s14 =	simm.s32 $0x1CE00  }
0x53: {  	[tilespmem:s14], [sflag:$0x2] =	stream.indirect.gather [hbm4b:s3+s21], $0x40, s22, s21, $0xb8;
	v63 =	vld [tilespmem:$0x0]  }
0x54: {  	s9 =	simm.s32 $0x17680;
	s10 =	simm.s32 $0x18F80;
	s18 =	simm.s32 $0x1DA80  }
0x55: {  	[tilespmem:s18], [sflag:$0x2] =	stream.indirect.gather [hbm4b:s3+s21], $0x40, s23, s21, $0xb8;
	v63 =	vld [tilespmem:$0x0]  }
0x56: {  	s12 =	simm.s32 $0xE080;
	s11 =	simm.s32 $0x18300;
	s22 =	simm.s32 $0x1E700  }
0x57: {  	[tilespmem:s22], [sflag:$0x2] =	stream.indirect.gather [hbm4b:s3+s21], $0x40, s24, s21, $0xb8;
	v63 =	vld [tilespmem:$0x0]  }
0x58: {  	s16 =	simm.s32 $0x10600;
	s20 =	simm.s32 $0xED00;
	s23 =	simm.s32 $0x0  }
0x59: {  	[tilespmem:s31], [sflag:$0x2] =	stream.indirect.gather [hbm4b:s3+s21], $0x40, s26, s21, $0xb8;
	v63 =	vld [tilespmem:$0x0]  }
0x5a: {  	s24 =	simm.s32 $0x11F00;
	s21 =	rddreg [dreg:$0x5];
	s26 =	simm.s32 $0xC780  }
.LBB2_2:
0x5b: {  	_ =	swait.ge [sflag:s13], $0xC800  }
0x5c: {  	[sflag:s13] =	ssyncset.done $0x0  }
0x5d: {  	[sflag:s13] =	ssyncadd.s32 $0xFFFF3800  }
0x5e: {  	[hbm4b:s21+s15] =	stream.strided.scatter [tilespmem:s25], [sflag:$0x3], $0xC80, s17, s15, $0x38;
	v63 =	vld [tilespmem:$0x0]  }
0x5f: {  	s0 =	sadd.s32 $0x380, s21  }
0x60: {  	[hbm4b:s0+s15] =	stream.strided.scatter [tilespmem:s28], [sflag:$0x3], $0xC80, s17, s15, $0x38;
	v63 =	vld [tilespmem:$0x0]  }
0x61: {  	s0 =	sadd.s32 $0x700, s21  }
0x62: {  	[hbm4b:s0+s15] =	stream.strided.scatter [tilespmem:s30], [sflag:$0x3], $0xC80, s17, s15, $0x38;
	v63 =	vld [tilespmem:$0x0]  }
0x63: {  	s25 =	sadd.s32 $0xA80, s21;
	s0 =	simm.s32 $0x9580  }
0x64: {  	[hbm4b:s25+s15] =	stream.strided.scatter [tilespmem:s0], [sflag:$0x3], $0xC80, s17, s15, $0x38;
	v63 =	vld [tilespmem:$0x0]  }
0x65: {  	s25 =	sadd.s32 $0xE00, s21;
	s0 =	simm.s32 $0xA200  }
0x66: {  	[hbm4b:s25+s15] =	stream.strided.scatter [tilespmem:s0], [sflag:$0x3], $0xC80, s17, s15, $0x38;
	v63 =	vld [tilespmem:$0x0]  }
0x67: {  	s25 =	sadd.s32 $0x1180, s21;
	s0 =	simm.s32 $0xAE80  }
0x68: {  	[hbm4b:s25+s15] =	stream.strided.scatter [tilespmem:s0], [sflag:$0x3], $0xC80, s17, s15, $0x38;
	v63 =	vld [tilespmem:$0x0]  }
0x69: {  	s25 =	sadd.s32 $0x1500, s21;
	s0 =	simm.s32 $0xBB00  }
0x6a: {  	[hbm4b:s25+s15] =	stream.strided.scatter [tilespmem:s0], [sflag:$0x3], $0xC80, s17, s15, $0x38;
	v63 =	vld [tilespmem:$0x0]  }
0x6b: {  	s0 =	sadd.s32 $0x1880, s21  }
0x6c: {  	[hbm4b:s0+s15] =	stream.strided.scatter [tilespmem:s26], [sflag:$0x3], $0xC80, s17, s15, $0x38;
	v63 =	vld [tilespmem:$0x0]  }
0x6d: {  	s25 =	sadd.s32 $0x1C00, s21;
	s0 =	simm.s32 $0xD400  }
0x6e: {  	[hbm4b:s25+s15] =	stream.strided.scatter [tilespmem:s0], [sflag:$0x3], $0xC80, s17, s15, $0x38;
	v63 =	vld [tilespmem:$0x0]  }
0x6f: {  	s0 =	sadd.s32 $0x1F80, s21  }
0x70: {  	[hbm4b:s0+s15] =	stream.strided.scatter [tilespmem:s12], [sflag:$0x3], $0xC80, s17, s15, $0x38;
	v63 =	vld [tilespmem:$0x0]  }
0x71: {  	s0 =	sadd.s32 $0x2300, s21  }
0x72: {  	[hbm4b:s0+s15] =	stream.strided.scatter [tilespmem:s20], [sflag:$0x3], $0xC80, s17, s15, $0x38;
	v63 =	vld [tilespmem:$0x0]  }
0x73: {  	s0 =	sadd.s32 $0x2680, s21  }
0x74: {  	[hbm4b:s0+s15] =	stream.strided.scatter [tilespmem:s29], [sflag:$0x3], $0xC80, s17, s15, $0x38;
	v63 =	vld [tilespmem:$0x0]  }
0x75: {  	s0 =	sadd.s32 $0x2A00, s21  }
0x76: {  	[hbm4b:s0+s15] =	stream.strided.scatter [tilespmem:s16], [sflag:$0x3], $0xC80, s17, s15, $0x38;
	v63 =	vld [tilespmem:$0x0]  }
0x77: {  	s0 =	sadd.s32 $0x2D80, s21  }
0x78: {  	[hbm4b:s0+s15] =	stream.strided.scatter [tilespmem:s1], [sflag:$0x3], $0xC80, s17, s15, $0x38;
	v63 =	vld [tilespmem:$0x0]  }
0x79: {  	p0 =	seq.s32 s23, $0x1A400;
	s0 =	sadd.s32 $0x3100, s21  }
0x7a: {  	[hbm4b:s0+s15] =	stream.strided.scatter [tilespmem:s24], [sflag:$0x3], $0xC80, s17, s15, $0x38;
	v63 =	vld [tilespmem:$0x0]  }
0x7b: {  	s25 =	simm.s32 @!p0 $0x3;
	s0 =	sadd.s32 $0x3480, s21  }
0x7c: {  	[hbm4b:s0+s15] =	stream.strided.scatter [tilespmem:s2], [sflag:$0x3], $0xC80, s17, s15, $0x38;
	v63 =	vld [tilespmem:$0x0]  }
0x7d: {  	_ =	swait.ge @!p0 [sflag:s25], $0xC800  }
0x7e: {  	[sflag:s25] =	ssyncset.done @!p0 $0x0  }
0x7f: {  	[sflag:s25] =	ssyncadd.s32 @!p0 $0xFFFF3800;
	s25 =	sshra.s32 @!p0 s23, $0x2  }
0x80: {  	s28 =	simm.s32 @!p0 $0x32;
	s0 =	simm.s32 @!p0 $0x7000;
	s30 =	sadd.s32 @!p0 $0x700, s25  }
0x81: {  	[tilespmem:s0], [sflag:$0x1] =	stream.indirect.gather @!p0 [hbm4b:s3+s28], $0x40, s30, s28, $0xb8;
	v63 =	vld [tilespmem:$0x0]  }
0x82: {  	s0 =	sadd.s32 @!p0 $0x738, s25;
	s30 =	simm.s32 @!p0 $0x7C80  }
0x83: {  	[tilespmem:s30], [sflag:$0x1] =	stream.indirect.gather @!p0 [hbm4b:s3+s28], $0x40, s0, s28, $0xb8;
	v63 =	vld [tilespmem:$0x0]  }
0x84: {  	s0 =	sadd.s32 @!p0 $0x770, s25;
	s30 =	simm.s32 @!p0 $0x8900  }
0x85: {  	[tilespmem:s30], [sflag:$0x1] =	stream.indirect.gather @!p0 [hbm4b:s3+s28], $0x40, s0, s28, $0xb8;
	v63 =	vld [tilespmem:$0x0]  }
0x86: {  	s0 =	sadd.s32 @!p0 $0x7A8, s25;
	s30 =	simm.s32 @!p0 $0x9580  }
0x87: {  	[tilespmem:s30], [sflag:$0x1] =	stream.indirect.gather @!p0 [hbm4b:s3+s28], $0x40, s0, s28, $0xb8;
	v63 =	vld [tilespmem:$0x0]  }
0x88: {  	s0 =	sadd.s32 @!p0 $0x7E0, s25;
	s30 =	simm.s32 @!p0 $0xA200  }
0x89: {  	[tilespmem:s30], [sflag:$0x1] =	stream.indirect.gather @!p0 [hbm4b:s3+s28], $0x40, s0, s28, $0xb8;
	v63 =	vld [tilespmem:$0x0]  }
0x8a: {  	s0 =	sadd.s32 @!p0 $0x818, s25;
	s30 =	simm.s32 @!p0 $0xAE80  }
0x8b: {  	[tilespmem:s30], [sflag:$0x1] =	stream.indirect.gather @!p0 [hbm4b:s3+s28], $0x40, s0, s28, $0xb8;
	v63 =	vld [tilespmem:$0x0]  }
0x8c: {  	s0 =	sadd.s32 @!p0 $0x850, s25;
	s30 =	simm.s32 @!p0 $0xBB00  }
0x8d: {  	[tilespmem:s30], [sflag:$0x1] =	stream.indirect.gather @!p0 [hbm4b:s3+s28], $0x40, s0, s28, $0xb8;
	v63 =	vld [tilespmem:$0x0]  }
0x8e: {  	s0 =	sadd.s32 @!p0 $0x888, s25;
	s30 =	simm.s32 @!p0 $0xC780  }
0x8f: {  	[tilespmem:s30], [sflag:$0x1] =	stream.indirect.gather @!p0 [hbm4b:s3+s28], $0x40, s0, s28, $0xb8;
	v63 =	vld [tilespmem:$0x0]  }
0x90: {  	s0 =	sadd.s32 @!p0 $0x8C0, s25;
	s30 =	simm.s32 @!p0 $0xD400  }
0x91: {  	[tilespmem:s30], [sflag:$0x1] =	stream.indirect.gather @!p0 [hbm4b:s3+s28], $0x40, s0, s28, $0xb8;
	v63 =	vld [tilespmem:$0x0]  }
0x92: {  	s0 =	sadd.s32 @!p0 $0x8F8, s25;
	s30 =	simm.s32 @!p0 $0xE080  }
0x93: {  	[tilespmem:s30], [sflag:$0x1] =	stream.indirect.gather @!p0 [hbm4b:s3+s28], $0x40, s0, s28, $0xb8;
	v63 =	vld [tilespmem:$0x0]  }
0x94: {  	s0 =	sadd.s32 @!p0 $0x930, s25;
	s30 =	simm.s32 @!p0 $0xED00  }
0x95: {  	[tilespmem:s30], [sflag:$0x1] =	stream.indirect.gather @!p0 [hbm4b:s3+s28], $0x40, s0, s28, $0xb8;
	v63 =	vld [tilespmem:$0x0]  }
0x96: {  	s0 =	sadd.s32 @!p0 $0x968, s25;
	s30 =	simm.s32 @!p0 $0xF980  }
0x97: {  	[tilespmem:s30], [sflag:$0x1] =	stream.indirect.gather @!p0 [hbm4b:s3+s28], $0x40, s0, s28, $0xb8;
	v63 =	vld [tilespmem:$0x0]  }
0x98: {  	s0 =	sadd.s32 @!p0 $0x9A0, s25;
	s30 =	simm.s32 @!p0 $0x10600  }
0x99: {  	[tilespmem:s30], [sflag:$0x1] =	stream.indirect.gather @!p0 [hbm4b:s3+s28], $0x40, s0, s28, $0xb8;
	v63 =	vld [tilespmem:$0x0]  }
0x9a: {  	s0 =	sadd.s32 @!p0 $0x9D8, s25;
	s30 =	simm.s32 @!p0 $0x11280  }
0x9b: {  	[tilespmem:s30], [sflag:$0x1] =	stream.indirect.gather @!p0 [hbm4b:s3+s28], $0x40, s0, s28, $0xb8;
	v63 =	vld [tilespmem:$0x0]  }
0x9c: {  	s0 =	sadd.s32 @!p0 $0xA10, s25;
	s30 =	simm.s32 @!p0 $0x11F00  }
0x9d: {  	[tilespmem:s30], [sflag:$0x1] =	stream.indirect.gather @!p0 [hbm4b:s3+s28], $0x40, s0, s28, $0xb8;
	v63 =	vld [tilespmem:$0x0]  }
0x9e: {  	s0 =	sadd.s32 @!p0 $0xA48, s25;
	s30 =	simm.s32 @!p0 $0x12B80  }
0x9f: {  	[tilespmem:s30], [sflag:$0x1] =	stream.indirect.gather @!p0 [hbm4b:s3+s28], $0x40, s0, s28, $0xb8;
	v63 =	vld [tilespmem:$0x0]  }
0xa0: {  	_ =	swait.ge [sflag:s19], $0xC800  }
0xa1: {  	[sflag:s19] =	ssyncset.done $0x0  }
0xa2: {  	s0 =	sadd.s32 $0x3800, s21;
	[sflag:s19] =	ssyncadd.s32 $0xFFFF3800  }
0xa3: {  	[hbm4b:s0+s15] =	stream.strided.scatter [tilespmem:s4], [sflag:$0x4], $0xC80, s17, s15, $0x38;
	v63 =	vld [tilespmem:$0x0]  }
0xa4: {  	s0 =	sadd.s32 $0x3B80, s21  }
0xa5: {  	[hbm4b:s0+s15] =	stream.strided.scatter [tilespmem:s5], [sflag:$0x4], $0xC80, s17, s15, $0x38;
	v63 =	vld [tilespmem:$0x0]  }
0xa6: {  	s0 =	sadd.s32 $0x3F00, s21  }
0xa7: {  	[hbm4b:s0+s15] =	stream.strided.scatter [tilespmem:s6], [sflag:$0x4], $0xC80, s17, s15, $0x38;
	v63 =	vld [tilespmem:$0x0]  }
0xa8: {  	s0 =	sadd.s32 $0x4280, s21  }
0xa9: {  	[hbm4b:s0+s15] =	stream.strided.scatter [tilespmem:s7], [sflag:$0x4], $0xC80, s17, s15, $0x38;
	v63 =	vld [tilespmem:$0x0]  }
0xaa: {  	s0 =	sadd.s32 $0x4600, s21  }
0xab: {  	[hbm4b:s0+s15] =	stream.strided.scatter [tilespmem:s8], [sflag:$0x4], $0xC80, s17, s15, $0x38;
	v63 =	vld [tilespmem:$0x0]  }
0xac: {  	s0 =	sadd.s32 $0x4980, s21  }
0xad: {  	[hbm4b:s0+s15] =	stream.strided.scatter [tilespmem:s9], [sflag:$0x4], $0xC80, s17, s15, $0x38;
	v63 =	vld [tilespmem:$0x0]  }
0xae: {  	s0 =	sadd.s32 $0x4D00, s21  }
0xaf: {  	[hbm4b:s0+s15] =	stream.strided.scatter [tilespmem:s11], [sflag:$0x4], $0xC80, s17, s15, $0x38;
	v63 =	vld [tilespmem:$0x0]  }
0xb0: {  	s0 =	sadd.s32 $0x5080, s21  }
0xb1: {  	[hbm4b:s0+s15] =	stream.strided.scatter [tilespmem:s10], [sflag:$0x4], $0xC80, s17, s15, $0x38;
	v63 =	vld [tilespmem:$0x0]  }
0xb2: {  	s30 =	simm.s32 $0x19C00;
	s0 =	sadd.s32 $0x5400, s21  }
0xb3: {  	[hbm4b:s0+s15] =	stream.strided.scatter [tilespmem:s30], [sflag:$0x4], $0xC80, s17, s15, $0x38;
	v63 =	vld [tilespmem:$0x0]  }
0xb4: {  	s0 =	sadd.s32 $0x5780, s21;
	s30 =	simm.s32 $0x1A880  }
0xb5: {  	[hbm4b:s0+s15] =	stream.strided.scatter [tilespmem:s30], [sflag:$0x4], $0xC80, s17, s15, $0x38;
	v63 =	vld [tilespmem:$0x0]  }
0xb6: {  	s0 =	sadd.s32 $0x5B00, s21;
	s30 =	simm.s32 $0x1B500  }
0xb7: {  	[hbm4b:s0+s15] =	stream.strided.scatter [tilespmem:s30], [sflag:$0x4], $0xC80, s17, s15, $0x38;
	v63 =	vld [tilespmem:$0x0]  }
0xb8: {  	s0 =	sadd.s32 $0x5E80, s21;
	s30 =	simm.s32 $0x1C180  }
0xb9: {  	[hbm4b:s0+s15] =	stream.strided.scatter [tilespmem:s30], [sflag:$0x4], $0xC80, s17, s15, $0x38;
	v63 =	vld [tilespmem:$0x0]  }
0xba: {  	s0 =	sadd.s32 $0x6200, s21  }
0xbb: {  	[hbm4b:s0+s15] =	stream.strided.scatter [tilespmem:s14], [sflag:$0x4], $0xC80, s17, s15, $0x38;
	v63 =	vld [tilespmem:$0x0]  }
0xbc: {  	s0 =	sadd.s32 $0x6580, s21  }
0xbd: {  	[hbm4b:s0+s15] =	stream.strided.scatter [tilespmem:s18], [sflag:$0x4], $0xC80, s17, s15, $0x38;
	v63 =	vld [tilespmem:$0x0]  }
0xbe: {  	s0 =	sadd.s32 $0x6900, s21  }
0xbf: {  	[hbm4b:s0+s15] =	stream.strided.scatter [tilespmem:s22], [sflag:$0x4], $0xC80, s17, s15, $0x38;
	v63 =	vld [tilespmem:$0x0]  }
0xc0: {  	s0 =	sadd.s32 $0x6C80, s21  }
0xc1: {  	[hbm4b:s0+s15] =	stream.strided.scatter [tilespmem:s31], [sflag:$0x4], $0xC80, s17, s15, $0x38;
	v63 =	vld [tilespmem:$0x0]  }
0xc2: {  	s0 =	simm.s32 @!p0 $0x4  }
0xc3: {  	_ =	swait.ge @!p0 [sflag:s0], $0xC800  }
0xc4: {  	[sflag:s0] =	ssyncset.done @!p0 $0x0  }
0xc5: {  	s30 =	simm.s32 @!p0 $0x13800;
	[sflag:s0] =	ssyncadd.s32 @!p0 $0xFFFF3800;
	s0 =	sadd.s32 @!p0 $0xA80, s25  }
0xc6: {  	[tilespmem:s30], [sflag:$0x2] =	stream.indirect.gather @!p0 [hbm4b:s3+s28], $0x40, s0, s28, $0xb8;
	v63 =	vld [tilespmem:$0x0]  }
0xc7: {  	s0 =	sadd.s32 @!p0 $0xAB8, s25;
	s30 =	simm.s32 @!p0 $0x14480  }
0xc8: {  	[tilespmem:s30], [sflag:$0x2] =	stream.indirect.gather @!p0 [hbm4b:s3+s28], $0x40, s0, s28, $0xb8;
	v63 =	vld [tilespmem:$0x0]  }
0xc9: {  	s0 =	sadd.s32 @!p0 $0xAF0, s25;
	s30 =	simm.s32 @!p0 $0x15100  }
0xca: {  	[tilespmem:s30], [sflag:$0x2] =	stream.indirect.gather @!p0 [hbm4b:s3+s28], $0x40, s0, s28, $0xb8;
	v63 =	vld [tilespmem:$0x0]  }
0xcb: {  	s0 =	sadd.s32 @!p0 $0xB28, s25;
	s30 =	simm.s32 @!p0 $0x15D80  }
0xcc: {  	[tilespmem:s30], [sflag:$0x2] =	stream.indirect.gather @!p0 [hbm4b:s3+s28], $0x40, s0, s28, $0xb8;
	v63 =	vld [tilespmem:$0x0]  }
0xcd: {  	s0 =	sadd.s32 @!p0 $0xB60, s25;
	s30 =	simm.s32 @!p0 $0x16A00  }
0xce: {  	[tilespmem:s30], [sflag:$0x2] =	stream.indirect.gather @!p0 [hbm4b:s3+s28], $0x40, s0, s28, $0xb8;
	v63 =	vld [tilespmem:$0x0]  }
0xcf: {  	s0 =	sadd.s32 @!p0 $0xB98, s25;
	s30 =	simm.s32 @!p0 $0x17680  }
0xd0: {  	[tilespmem:s30], [sflag:$0x2] =	stream.indirect.gather @!p0 [hbm4b:s3+s28], $0x40, s0, s28, $0xb8;
	v63 =	vld [tilespmem:$0x0]  }
0xd1: {  	s0 =	sadd.s32 @!p0 $0xBD0, s25;
	s30 =	simm.s32 @!p0 $0x18300  }
0xd2: {  	[tilespmem:s30], [sflag:$0x2] =	stream.indirect.gather @!p0 [hbm4b:s3+s28], $0x40, s0, s28, $0xb8;
	v63 =	vld [tilespmem:$0x0]  }
0xd3: {  	s0 =	sadd.s32 @!p0 $0xC08, s25;
	s30 =	simm.s32 @!p0 $0x18F80  }
0xd4: {  	[tilespmem:s30], [sflag:$0x2] =	stream.indirect.gather @!p0 [hbm4b:s3+s28], $0x40, s0, s28, $0xb8;
	v63 =	vld [tilespmem:$0x0]  }
0xd5: {  	s0 =	sadd.s32 @!p0 $0xC40, s25;
	s30 =	simm.s32 @!p0 $0x19C00  }
0xd6: {  	[tilespmem:s30], [sflag:$0x2] =	stream.indirect.gather @!p0 [hbm4b:s3+s28], $0x40, s0, s28, $0xb8;
	v63 =	vld [tilespmem:$0x0]  }
0xd7: {  	s0 =	sadd.s32 @!p0 $0xC78, s25;
	s30 =	simm.s32 @!p0 $0x1A880  }
0xd8: {  	[tilespmem:s30], [sflag:$0x2] =	stream.indirect.gather @!p0 [hbm4b:s3+s28], $0x40, s0, s28, $0xb8;
	v63 =	vld [tilespmem:$0x0]  }
0xd9: {  	s0 =	sadd.s32 @!p0 $0xCB0, s25;
	s30 =	simm.s32 @!p0 $0x1B500  }
0xda: {  	[tilespmem:s30], [sflag:$0x2] =	stream.indirect.gather @!p0 [hbm4b:s3+s28], $0x40, s0, s28, $0xb8;
	v63 =	vld [tilespmem:$0x0]  }
0xdb: {  	s23 =	sadd.s32 @!p0 $0x1C00, s23;
	s0 =	sadd.s32 @!p0 $0xCE8, s25;
	s30 =	simm.s32 @!p0 $0x1C180  }
0xdc: {  	[tilespmem:s30], [sflag:$0x2] =	stream.indirect.gather @!p0 [hbm4b:s3+s28], $0x40, s0, s28, $0xb8;
	v63 =	vld [tilespmem:$0x0]  }
0xdd: {  	p1 =	sne.s32 @!p0 s23, $0x1C000;
	s0 =	sadd.s32 @!p0 $0xD20, s25;
	s30 =	simm.s32 @!p0 $0x1CE00  }
0xde: {  	[tilespmem:s30], [sflag:$0x2] =	stream.indirect.gather @!p0 [hbm4b:s3+s28], $0x40, s0, s28, $0xb8;
	v63 =	vld [tilespmem:$0x0]  }
0xdf: {  	p1 =	por p0, !p1;
	s0 =	sadd.s32 @!p0 $0xD58, s25;
	s30 =	simm.s32 @!p0 $0x1DA80  }
0xe0: {  	[tilespmem:s30], [sflag:$0x2] =	stream.indirect.gather @!p0 [hbm4b:s3+s28], $0x40, s0, s28, $0xb8;
	v63 =	vld [tilespmem:$0x0]  }
.Ltmp0:
0xe1: {  	s0 =	sadd.s32 @!p0 $0xD90, s25;
	s30 =	simm.s32 @!p0 $0x1E700;
	(pc) =	sbr.rel @!p1 .LBB2_2-.Ltmp0, $4  }
0xe2: {  	[tilespmem:s30], [sflag:$0x2] =	stream.indirect.gather @!p0 [hbm4b:s3+s28], $0x40, s0, s28, $0xb8;
	v63 =	vld [tilespmem:$0x0]  }
0xe3: {  	s21 =	sadd.s32 @!p0 $0x7000, s21;
	s0 =	sadd.s32 @!p0 $0xDC8, s25;
	s25 =	simm.s32 @!p0 $0x1F380  }
0xe4: {  	[tilespmem:s25], [sflag:$0x2] =	stream.indirect.gather @!p0 [hbm4b:s3+s28], $0x40, s0, s28, $0xb8;
	v63 =	vld [tilespmem:$0x0]  }
0xe5: {  	s30 =	simm.s32 $0x8900;
	s28 =	simm.s32 $0x7C80;
	s25 =	simm.s32 $0x7000  }
0xe6: {  	s0 =	simm.s32 $0x3  }
0xe7: {  	_ =	swait.ge [sflag:s0], $0xC800  }
0xe8: {  	s1 =	simm.s32 $0x4;
	[sflag:s0] =	ssyncset.done $0x0  }
0xe9: {  	s10 =	simm.s32 $0x9580;
	s14 =	simm.s32 $0xA200;
	[sflag:s0] =	ssyncadd.s32 $0xFFFF3800  }
0xea: {  	s18 =	simm.s32 $0xAE80;
	s22 =	simm.s32 $0xBB00;
	_ =	swait.ge [sflag:s1], $0xC800  }
0xeb: {  	s23 =	simm.s32 $0xC780;
	s12 =	simm.s32 $0xE080;
	s21 =	rddreg [dreg:$0x6]  }
0xec: {  	s20 =	simm.s32 $0xED00;
	s26 =	rddreg [dreg:$0x4];
	s21 =	sadd.s32 $0x1, s21  }
0xed: {  	s29 =	simm.s32 $0xF980;
	s16 =	simm.s32 $0x10600;
	p0 =	sne.s32 s21, s26  }
.Ltmp1:
0xee: {  	s24 =	simm.s32 $0x11F00;
	s2 =	simm.s32 $0x12B80;
	(pc) =	sbr.rel @p0 .LBB2_1-.Ltmp1, $4  }
0xef: {  	s4 =	simm.s32 $0x13800;
	s5 =	simm.s32 $0x14480;
	s6 =	simm.s32 $0x15100  }
0xf0: {  	s7 =	simm.s32 $0x15D80;
	s8 =	simm.s32 $0x16A00;
	s9 =	simm.s32 $0x17680  }
0xf1: {  	s11 =	simm.s32 $0x18300;
	s31 =	simm.s32 $0x18F80;
	[sflag:s1] =	ssyncset.done $0x0  }
0xf2: {  	[sflag:s1] =	ssyncadd.s32 $0xFFFF3800;
	s1 =	simm.s32 $0x11280;
	s26 =	simm.s32 $0xD400  }
0xf3: {  	_ =	sfence.sel $0x180000  }
0xf4: {  	[bflag:$0x0] =	sbarrier.arrive $0xFFFF  }
0xf5: {  	_ =	strace $0x90000047  }
0xf6: {  	s0 =	stileid.u32;
	[bflag:$0x2] =	sbarrier.arrive $0xFFFF  }
0xf7: {  	p0 =	sne.s32 s0, $0x0;
	s0 =	rddreg [dreg:$0x2]  }
0xf8: {  	s0 =	sadd.s32 @!p0 $0x100000, s0  }
0xf9: {  	[sflag:s0] =	ssyncadd.tile.s32 @!p0 $0x1;
	_ =	shalt  }
.Lfunc_end2:
_tile_overlayer_lowered:
.L_overlay_start_2:
0xfa: {  	(tag) =	ssettag $0x2  }
0xfb: {  	s0 =	rddreg [dreg:$0x0];
	s2 =	stileid.u32  }
0xfc: {  	s1 =	rddreg [dreg:$0x1];
	p0 =	sne.s32 s2, $0x0  }
0xfd: {  	s3 =	rddreg [dreg:$0x2];
	[bflag:$0x3] =	sbarrier.arrive $0xFFFF;
	s2 =	simm.s32 @!p0 $0x1C05  }
0xfe: {  	[timem:s3], [sflag:s2] =	dma.local @!p0 [hbm:s0], s1  }
0xff: {  	s0 =	simm.s32 @!p0 $0x5  }
0x100: {  	_ =	swait.ge @!p0 [sflag:s0], s1  }
0x101: {  	s1 =	ssub.s32 @!p0 $0x0, s1;
	[sflag:s0] =	ssyncset.done @!p0 $0x0  }
0x102: {  	[sflag:s0] =	ssyncadd.s32 @!p0 s1  }
0x103: {  	[bflag:$0x3] =	sbarrier.arrive $0xFFFF  }
0x104: {  	_ =	shalt  }

// kernel: sparse-core-data-format-call.cloned.1.call-start
scs
called_computation_lowered:
.L_overlay_start_0:
0x0: {  	s2 =	sld [smem:$0x3FD9]  }
0x1: {  	s3 =	sld [smem:$0x3FFE];
	_ =	sdelay $0x1  }
0x2: {  	s1 =	srdreg.scid  }
0x3: {  	s0 =	sand.u32 $0x1, s1  }
0x4: {  	s18 =	sshll.u32 s0, $0xA;
	s2 =	sadd.s32 s3, s2  }
0x5: {  	s2 =	sadd.s32 s2, s18  }
0x6: {  	[smem:$0x3FC6] =	sst s2  }
0x7: {  	_ = 	snop  }
0x8: {  	s2 =	sld [smem:$0x3FD0];
	(tm) =	ssettm $0x1  }
0x9: {  	s19 =	sld [smem:$0x3FFB];
	_ =	sdelay $0x3  }
0xa: {  	_ =	strace s19  }
0xb: {  	s3 =	sld [smem:$0x3FFC];
	_ =	sdelay $0x3  }
0xc: {  	_ =	strace s3  }
0xd: {  	s3 =	sld [smem:$0x3FFD];
	_ =	sdelay $0x3  }
0xe: {  	_ =	strace s3  }
0xf: {  	_ =	strace $0x8FFFFFFF  }
0x10: {  	s20 =	sld [smem:$0x3FDB];
	_ =	sdelay $0x1  }
0x11: {  	s4 =	simm.s32 $_scs_section_size  }
0x12: {  	s5 =	simm.s32 $_size__tile_overlayer_lowered;
	s6 =	simm.s32 $_tile_overlayer_lowered  }
0x13: {  	s23 =	simm.s32 $0x1BFF;
	s22 =	sshll.u32 s6, $0x1;
	s3 =	sadd.s32 s4, s20  }
0x14: {  	s7 =	simm.s32 $0x0;
	s21 =	sshll.u32 s5, $0x1;
	s5 =	sadd.s32 s22, s3  }
0x15: {  	[timem:s7], [sflag:s23] =	dma.local [hbm:s5], s21  }
0x16: {  	_ =	swait.ge [sflag:s23], s21  }
0x17: {  	s4 =	ssub.s32 $0x0, s21;
	[sflag:s23] =	ssyncset.done $0x0  }
0x18: {  	[sflag:s23] =	ssyncadd.s32 s4;
	_ =	sdelay $0x1  }
0x19: {  	s24 =	simm.s32 $0x1B8B  }
0x1a: {  	_ =	swait.ge [sflag:s24], $0x1  }
0x1b: {  	[sflag:s24] =	ssyncset.done $0x0  }
0x1c: {  	s26 =	simm.s32 $0x1B8E;
	s25 =	sld [smem:$0x3FFE];
	[sflag:s24] =	ssyncadd.s32 $0xFFFFFFFF  }
0x1d: {  	s27 =	simm.s32 $execute0_lowered;
	[smem:$0x3FD2] =	sst s26  }
0x1e: {  	s5 =	sshll.u32 s27, $0x1;
	_ =	strace $0x80000049;
	[dreg:$0x1] =	wrdreg $0xFFFFFFFF  }
0x1f: {  	s28 =	simm.s32 $_size_execute0_lowered;
	s3 =	sadd.s32 s3, s5;
	[dreg:$0x0] =	wrdreg $0x0  }
0x20: {  	s5 =	sshll.u32 s28, $0x1;
	[dreg:$0x2] =	wrdreg s3  }
0x21: {  	[dreg:$0x3] =	wrdreg s5  }
0x22: {  	[dreg:$0x4] =	wrdreg $0xC0  }
0x23: {  	_ =	task [dreg:s7], $0x5FFFF  }
0x24: {  	[dreg:$0x1] =	wrdreg $0xFFFFFFFF  }
0x25: {  	[dreg:$0x0] =	wrdreg $0x60  }
0x26: {  	[dreg:$0x2] =	wrdreg s25  }
0x27: {  	[dreg:$0x3] =	wrdreg s2  }
0x28: {  	[dreg:$0x4] =	wrdreg $0x9  }
0x29: {  	_ =	task.clear_ibuf [dreg:s7], $0x5FFFF;
	_ =	strace $0x90000049  }
0x2a: {  	s29 =	simm.s32 $0x9;
	_ =	strace $0x8000004B  }
0x2b: {  	_ =	swait.ge [sflag:s29], $0x1  }
0x2c: {  	[sflag:s29] =	ssyncadd.s32 $0xFFFFFFFF  }
0x2d: {  	_ =	strace $0x9000004B  }
0x2e: {  	_ =	sfence  }
0x2f: {  	s30 =	sld [smem:$0x0];
	_ =	sdelay $0x2  }
0x30: {  	s31 =	sshll.u32 s1, $0xD;
	s1 =	sshrl.u32 s1, $0x2  }
0x31: {  	s3 =	sand.u32 $0x4000, s31;
	s1 =	sadd.s32 s1, s30  }
0x32: {  	s0 =	sor.u32 s3, s0;
	s1 =	sshll.u32 s1, $0x11  }
0x33: {  	s0 =	sor.u32 s1, s0  }
0x34: {  	s0 =	sadd.s32 $0x8F2B, s0  }
0x35: {  	[sflag:s0] =	ssyncadd.remote.s32 $0x1  }
0x36: {  	_ =	sfence.sel $0xFFFF  }
0x37: {  	[dreg:$0x0] =	wrdreg $0xFFFFFFFF;
	(pc) =	sbr.abs _section_cstart, $3  }
0x38: {  	[dreg:$0x1] =	wrdreg $0xFFFFFFFF  }
0x39: {  	_ =	task.clear_ibuf [dreg:s7], $0x2FFFF;
	_ =	strace $0x9FFFFFFF  }
0x3a: {  	(tm) =	ssettm $0x7FFFFFFF  }
0x3b: {  	_ =	shalt  }
tec
execute0_lowered:
.L_overlay_start_1:
0x0: {  	(tag) =	ssettag $0x1  }
0x1: {  	s0 =	srdreg.scid  }
0x2: {  	s1 =	sshll.u32 s0, $0x4  }
0x3: {  	s0 =	stileid.u32;
	s1 =	sand.u32 $0x10, s1  }
0x4: {  	s1 =	sor.u32 s0, s1  }
0x5: {  	s6 =	rddreg [dreg:$0x0];
	s4 =	simm.s32 $0x1;
	s2 =	sshll.u32 s1, $0x7  }
0x6: {  	s7 =	simm.s32 $0x2;
	s12 =	simm.s32 $0x0;
	s1 =	ssub.s32 $0x4000, s2  }
0x7: {  	s8 =	simm.s32 $0x20000;
	s13 =	simm.s32 $0x0;
	s3 =	sand.u32 $0xF80, s1  }
0x8: {  	s9 =	simm.s32 $0x0;
	s5 =	sshrl.u32 s1, $0xC;
	p0 =	sne.s32 s3, $0x0  }
.Ltmp0:
0x9: {  	s1 =	rddreg [dreg:$0x2];
	s4 =	simm.s32 @!p0 $0x0;
	(pc) =	sbr.rel .LBB1_1-.Ltmp0, $4  }
0xa: {  	s11 =	simm.s32 $0x0;
	s3 =	rddreg [dreg:$0x1];
	s5 =	sadd.s32 s4, s5  }
0xb: {  	_ =	strace $0x8000004A;
	s4 =	simm.s32 $0x1;
	s5 =	smul.u32 $0x32, s5  }
0xc: {  	s6 =	sadd.s32 $0xA00, s6;
	s10 =	smov.u32 s2;
	[sflag:s4] =	ssyncpa.u1 $0x0  }
0xd: {  	p0 =	por $0x0, $0x0;
	[sflag:s7] =	ssyncpa.u1 $0x0;
	s7 =	sor.u32 $0x1, s5  }
.LBB1_4:
0xe: {  	s16 =	sshll.u32 s13, $0x3;
	s17 =	sand.u32 $0x78, s13  }
0xf: {  	s30 =	sand.u32 $0x1F800, s13;
	s12 =	sshll.u32 s12, $0x11;
	s16 =	sand.u32 $0x3C00, s16  }
0x10: {  	[tilespmem:s15+$0x810 ss:$0x81] =	vst.msk $0xffff, v2;
	s31 =	sand.u32 $0x7, s13;
	s16 =	sor.u32 s17, s16;
	s17 =	sadd.s32 s3, s30  }
0x11: {  	[tilespmem:s15+$0x1020 ss:$0x81] =	vst.msk $0xffff, v0;
	s13 =	sshll.u32 s31, $0x12;
	s12 =	sadd.s32 s12, s17;
	s16 =	sshrl.u32 s16, $0x3  }
0x12: {  	[tilespmem:s15+$0x0 ss:$0x81] =	vst.msk $0xffff, v1;
	s13 =	sor.u32 $0x400, s13;
	s12 =	sadd.s32 s16, s12  }
0x13: {  	[hbm4b:s12+s13] =	stream.strided.scatter [tilespmem:s14], [sflag:$0x2], $0x2000, s8, s13, $0x20;
	[tilespmem:$0x8080] =	vst v63  }
.LBB1_5:
0x14: {  	s14 =	sadd.s32 $0x1, s9  }
0x15: {  	s12 =	sadd.s32 $0x1000, s10;
	s16 =	smov.u32 s10;
	p2 =	sgt.s32 s14, $0x31  }
0x16: {  	s16 =	smov.u32 @p2 s12  }
0x17: {  	s14 =	simm.s32 @p2 $0x0;
	p2 =	sgt.s32 s16, $0x3FFF  }
0x18: {  	s16 =	smov.u32 @p2 s2;
	p2 =	sne.s32 s11, s7  }
.Ltmp1:
0x19: {  	p1 =	slt.u32 s11, $0x2;
	(pc) =	sbr.rel @!p2 .LBB1_6-.Ltmp1, $4  }
0x1a: {  	s15 =	simm.s32 @!p1 $0x2  }
0x1b: {  	s13 =	smov.u32 s10;
	p0 =	por !p0, !p0;
	_ =	swait.ge @!p1 [sflag:s15], $0x2000  }
0x1c: {  	s12 =	smov.u32 s9;
	[sflag:s15] =	ssyncset.done @!p1 $0x0;
	s9 =	smov.u32 s14  }
0x1d: {  	s11 =	sadd.s32 $0x1, s11;
	[sflag:s15] =	ssyncadd.s32 @!p1 $0xFFFFE000;
	s10 =	smov.u32 s16  }
.LBB1_1:
0x1e: {  	p1 =	sge.u32 s11, s5  }
0x1f: {  	s14 =	sand.u32 @!p1 $0x1FFFFFF, s9  }
0x20: {  	s15 =	smulhi.u32 @!p1 $0x4924925, s14;
	_ =	sdelay $0x1  }
0x21: {  	s15 =	smul.u32 @!p1 $0x38, s15  }
0x22: {  	s16 =	sxor.u32 @!p1 $0xFFFFFFFF, s11;
	s17 =	smul.u32 @!p1 $0x380, s10  }
0x23: {  	s31 =	sadd.s32 $0xFFFFFFFF, s11;
	s16 =	sshll.u32 @!p1 s16, $0xD;
	s14 =	ssub.s32 @!p1 s14, s15  }
0x24: {  	s15 =	sand.u32 @!p1 $0x2000, s16;
	s16 =	sadd.s32 @!p1 s6, s17;
	s14 =	sshll.u32 @!p1 s14, $0x4  }
0x25: {  	s17 =	simm.s32 @!p1 $0x1C00;
	s14 =	sadd.s32 @!p1 s14, s16;
	s16 =	simm.s32 @!p1 $0x40  }
0x26: {  	[tilespmem:s15], [sflag:$0x1] =	stream.strided.gather @!p1 [hbm4b:s14+s16], $0x2000, s17, s16, $0x38;
	[tilespmem:$0x8080] =	vst v63  }
0x27: {  	p1 =	sge.u32 s31, s5  }
.Ltmp2:
0x28: {  	_ = 	snop;
	(pc) =	sbr.rel @p1 .LBB1_5-.Ltmp2, $1  }
0x29: {  	_ =	sdelay $0x3  }
0x2a: {  	s14 =	simm.s32 $0x1  }
0x2b: {  	_ =	swait.ge [sflag:s4], $0x2000;
	s14 =	simm.s32 @!p0 $0x0  }
0x2c: {  	[sflag:s4] =	ssyncset.done $0x0;
	s15 =	sshll.u32 s14, $0xD  }
0x2d: {  	[sflag:s4] =	ssyncadd.s32 $0xFFFFE000;
	s18 =	sor.u32 $0x20, s15  }
0x2e: {  	s14 =	smul.u32 $0x8100, s14;
	v3 =	vld [tilespmem:s18+$0x10]  }
0x2f: {  	s30 =	sand.u32 $0x1, s11;
	v2 =	vld [tilespmem:s18+$0xFFFFFFF0]  }
0x30: {  	s15 =	smul.u32 $0x8100, s30;
	s14 =	sshrl.u32 s14, $0x2;
	v0 =	vld [tilespmem:s18+$0x0]  }
0x31: {  	v1 =	vld [tilespmem:s18+$0xFFFFFFE0];
	s16 =	sor.u32 $0x4000, s14  }
0x32: {  	s31 =	sshrl.u32 s15, $0x2;
	s15 =	sadd.s32 $0x0, s16  }
0x33: {  	s17 =	simm.s32 $0x4;
	s18 =	sadd.s32 $0x40, s18;
	s14 =	sor.u32 $0x4000, s31;
	[tilespmem:s15+$0x1830 ss:$0x81] =	vst.msk $0xffff, v3  }
.LBB1_3:
0x34: {  	v3 =	vld [tilespmem:s18+$0x10];
	p1 =	sne.s32 s17, $0x1FC;
	[tilespmem:s15+$0x810 ss:$0x81] =	vst.msk $0xffff, v2;
	s19 =	smov.u32 s17;
	s17 =	sadd.s32 $0x4, s17  }
.Ltmp3:
0x35: {  	v2 =	vld [tilespmem:s18+$0xFFFFFFF0];
	[tilespmem:s15+$0x1020 ss:$0x81] =	vst.msk $0xffff, v0;
	(pc) =	sbr.rel @p1 .LBB1_3-.Ltmp3, $4  }
0x36: {  	v0 =	vld [tilespmem:s18+$0x0];
	[tilespmem:s15+$0x0 ss:$0x81] =	vst.msk $0xffff, v1  }
0x37: {  	s15 =	sshra.s32 s19, $0x2;
	v1 =	vld [tilespmem:s18+$0xFFFFFFE0]  }
0x38: {  	s15 =	sadd.s32 s15, s16  }
0x39: {  	s18 =	sadd.s32 $0x40, s18;
	[tilespmem:s15+$0x1830 ss:$0x81] =	vst.msk $0xffff, v3  }
.Ltmp4:
0x3a: {  	_ = 	snop;
	(pc) =	sbr.rel .LBB1_4-.Ltmp4, $1  }
0x3b: {  	_ =	sdelay $0x3  }
.LBB1_6:
0x3c: {  	_ =	sfence.sel $0x180000  }
0x3d: {  	s2 =	simm.s32 $0x1;
	[bflag:$0x0] =	sbarrier.arrive $0xFFFF  }
0x3e: {  	s31 =	simm.s32 $0x2;
	[sflag:s2] =	ssyncpa.u1 $0x1  }
0x3f: {  	[sflag:s31] =	ssyncpa.u1 $0x1  }
0x40: {  	p0 =	sne.s32 s0, $0x0;
	_ =	strace $0x9000004A  }
0x41: {  	s0 =	sadd.s32 @!p0 $0x100000, s1;
	[bflag:$0x2] =	sbarrier.arrive $0xFFFF  }
0x42: {  	[sflag:s0] =	ssyncadd.tile.s32 @!p0 $0x1;
	_ =	shalt  }
.Lfunc_end1:
_tile_overlayer_lowered:
.L_overlay_start_2:
0x43: {  	(tag) =	ssettag $0x2  }
0x44: {  	s0 =	rddreg [dreg:$0x0];
	s2 =	stileid.u32  }
0x45: {  	s1 =	rddreg [dreg:$0x1];
	p0 =	sne.s32 s2, $0x0  }
0x46: {  	s3 =	rddreg [dreg:$0x2];
	[bflag:$0x3] =	sbarrier.arrive $0xFFFF;
	s2 =	simm.s32 @!p0 $0x1C01  }
0x47: {  	[timem:s3], [sflag:s2] =	dma.local @!p0 [hbm:s0], s1  }
0x48: {  	s0 =	simm.s32 @!p0 $0x1  }
0x49: {  	_ =	swait.ge @!p0 [sflag:s0], s1  }
0x4a: {  	s1 =	ssub.s32 @!p0 $0x0, s1;
	[sflag:s0] =	ssyncset.done @!p0 $0x0  }
0x4b: {  	[sflag:s0] =	ssyncadd.s32 @!p0 s1  }
0x4c: {  	[bflag:$0x3] =	sbarrier.arrive $0xFFFF  }
0x4d: {  	_ =	shalt  }

</sc_bundles>
